<compile_context>
chip_gen: v7x
topology: tpu7x:2x2x1
jax: 0.10.2.dev20260603
libtpu: 0.0.44.dev20260713+nightly
codegen_flags: <defaults>
</compile_context>

<pallas_src>
import functools

import jax
import jax.numpy as jnp
from jax import lax
from jax.experimental import pallas as pl
from jax.experimental.pallas import tpu as pltpu
from jax.experimental.pallas import tpu_sc as plsc

BS = 16384
DIM = 128
NCLASS = 1000
CPAD = 1024
LANES = 16
NCORES = 2
NSUB = 16
NW = NCORES * NSUB
RPW = BS // NW
CHUNK = 128
NCHUNKS = RPW // CHUNK
NVEC = DIM // LANES
CROWS = CPAD // NSUB
CLAST = NCLASS - (NSUB - 1) * CROWS


def _build():
  mesh = plsc.VectorSubcoreMesh(core_axis_name="c", subcore_axis_name="s")

  @functools.partial(
      pl.kernel,
      mesh=mesh,
      out_type=jax.ShapeDtypeStruct((NW, LANES), jnp.float32),
      scratch_types=[
          pltpu.VMEM((NCHUNKS, CHUNK), jnp.int32),
          pltpu.VMEM((NCHUNKS, CHUNK, DIM), jnp.float32),
          pltpu.VMEM((CROWS, DIM), jnp.float32),
          pltpu.VMEM((CROWS, DIM), jnp.float32),
          pltpu.VMEM((LANES,), jnp.float32),
          pltpu.VMEM_SHARED((CPAD, DIM), jnp.float32),
          pltpu.SemaphoreType.DMA,
          pltpu.SemaphoreType.DMA,
          pltpu.SemaphoreType.DMA,
          pltpu.SemaphoreType.DMA,
          pltpu.SemaphoreType.DMA,
          pltpu.SemaphoreType.DMA,
          pltpu.SemaphoreType.DMA,
      ],
  )
  def k(feat_hbm, agents_hbm, labels_hbm, out_hbm,
        idx_v, feat_v, tbuf_v, abuf_v, res_v, table_sh,
        sem_f0, sem_f1, sem_f2, sem_f3, sem_l, sem_a, sem_s):
    sem_f = (sem_f0, sem_f1, sem_f2, sem_f3)
    cid = lax.axis_index("c")
    sid = lax.axis_index("s")
    wid = sid * NCORES + cid
    base = wid * RPW
    zero = jnp.zeros((LANES,), jnp.float32)

    lab_cp = pltpu.async_copy(labels_hbm.at[wid], idx_v, sem_l)
    feat_cps = [
        pltpu.async_copy(feat_hbm.at[pl.ds(base + j * CHUNK, CHUNK)],
                         feat_v.at[j], sem_f[j])
        for j in range(NCHUNKS)
    ]

    @pl.when(sid == NSUB - 1)
    def _():
      pltpu.async_copy(agents_hbm.at[pl.ds((NSUB - 1) * CROWS, CLAST)],
                       abuf_v.at[pl.ds(0, CLAST)], sem_a)

    @pl.when(sid != NSUB - 1)
    def _():
      pltpu.async_copy(agents_hbm.at[pl.ds(sid * CROWS, CROWS)],
                       abuf_v, sem_a)

    def zbody(r, _):
      for d in range(NVEC):
        tbuf_v[r, pl.ds(d * LANES, LANES)] = zero
      return 0
    lax.fori_loop(0, CROWS, zbody, 0)

    @pl.when(sid == NSUB - 1)
    def _():
      def ztail(r, _):
        for d in range(NVEC):
          abuf_v[r, pl.ds(d * LANES, LANES)] = zero
        return 0
      lax.fori_loop(CLAST, CROWS, ztail, 0)

    pltpu.sync_copy(tbuf_v, table_sh.at[pl.ds(sid * CROWS, CROWS)])
    lab_cp.wait()
    plsc.subcore_barrier()

    scat_cps = []
    for j in range(NCHUNKS):
      feat_cps[j].wait()
      scat_cps.append(
          pltpu.async_copy(feat_v.at[j], table_sh.at[idx_v.at[j]], sem_s,
                           add=True))
    for cp in scat_cps:
      cp.wait()
    plsc.subcore_barrier()

    pltpu.sync_copy(table_sh.at[pl.ds(sid * CROWS, CROWS)], tbuf_v)

    @pl.when(sid == NSUB - 1)
    def _():
      pltpu.make_async_copy(agents_hbm.at[pl.ds((NSUB - 1) * CROWS, CLAST)],
                            abuf_v.at[pl.ds(0, CLAST)], sem_a).wait()

    @pl.when(sid != NSUB - 1)
    def _():
      pltpu.make_async_copy(agents_hbm.at[pl.ds(sid * CROWS, CROWS)],
                            abuf_v, sem_a).wait()

    accs = tuple(jnp.zeros((LANES,), jnp.float32) for _ in range(NVEC))

    def body(r, acc):
      out = []
      for d in range(NVEC):
        t = tbuf_v[r, pl.ds(d * LANES, LANES)]
        a = abuf_v[r, pl.ds(d * LANES, LANES)]
        out.append(acc[d] + t * a)
      return tuple(out)

    accs = lax.fori_loop(0, CROWS, body, accs)

    total = accs[0]
    for d in range(1, NVEC):
      total = total + accs[d]
    res_v[...] = total
    pltpu.sync_copy(res_v, out_hbm.at[wid])

  return k


_partials_kernel = _build()


@jax.jit
def kernel(features, agents, labels):
  labels_i32 = labels.astype(jnp.int32).reshape(NW, NCHUNKS, CHUNK)
  partials = _partials_kernel(features, agents, labels_i32)
  return 1.0 - partials.sum() / BS

# --- scband reference (transcript-rebuilt; emitter-appended) ---
"""Pipeline reference for scband-agent-loss-3882650436519 (READ-ONLY COPY).

The authoritative reference and input builder live on the scoring server;
editing this copy changes nothing except your own understanding.
"""

import jax, jax.numpy as jnp
import numpy as np

BS = 16384
DIM = 128
N_CLASS = 1000

def setup_inputs(seed: int = 0) -> dict:
    key = jax.random.key(seed)
    k1, k2, k3 = jax.random.split(key, 3)
    features = jax.random.normal(k1, (BS, DIM), dtype=jnp.float32)
    agents = jax.random.normal(k2, (N_CLASS, DIM), dtype=jnp.float32)
    labels = jax.random.randint(k3, (BS,), 0, N_CLASS, dtype=jnp.int64)
    return {"features": features, "agents": agents, "labels": labels}

def reference(features, agents, labels):
    # respective_agents = agents[labels]  (gather rows by label)
    respective_agents = jnp.take(agents, labels, axis=0)
    # per-row dot product between features and their class agent
    similarity_matrix = (features * respective_agents).sum(axis=1)
    loss = 1.0 - similarity_matrix.mean()
    return loss

if __name__ == "__main__":
    import jax
    _d = setup_inputs()
    print(jax.jit(kernel)(*tuple(_d.values())))

</pallas_src>

<mosaic_0001>
#map = affine_map<(d0, d1) -> (0, 0)>
#map1 = affine_map<(d0, d1) -> (0, 0, 0)>
module attributes {stable_mosaic.version = 14 : i64} {
  func.func @k(%arg0: i32, %arg1: i32, %arg2: memref<16384x128xf32, #tpu.memory_space<hbm>>, %arg3: memref<1000x128xf32, #tpu.memory_space<hbm>>, %arg4: memref<32x4x128xi32, #tpu.memory_space<hbm>>, %arg5: memref<32x16xf32, #tpu.memory_space<hbm>>, %arg6: memref<4x128xi32, #tpu.memory_space<vmem>>, %arg7: memref<4x128x128xf32, #tpu.memory_space<vmem>>, %arg8: memref<64x128xf32, #tpu.memory_space<vmem>>, %arg9: memref<64x128xf32, #tpu.memory_space<vmem>>, %arg10: memref<16xf32, #tpu.memory_space<vmem>>, %arg11: memref<1024x128xf32, #tpu.memory_space<vmem_shared>>, %arg12: memref<!tpu.dma_semaphore, #tpu.memory_space<semaphore_mem>>, %arg13: memref<!tpu.dma_semaphore, #tpu.memory_space<semaphore_mem>>, %arg14: memref<!tpu.dma_semaphore, #tpu.memory_space<semaphore_mem>>, %arg15: memref<!tpu.dma_semaphore, #tpu.memory_space<semaphore_mem>>, %arg16: memref<!tpu.dma_semaphore, #tpu.memory_space<semaphore_mem>>, %arg17: memref<!tpu.dma_semaphore, #tpu.memory_space<semaphore_mem>>, %arg18: memref<!tpu.dma_semaphore, #tpu.memory_space<semaphore_mem>>) attributes {dimension_semantics = [#tpu.dimension_semantics<core_parallel>, #tpu.dimension_semantics<subcore_parallel>], iteration_bounds = array<i64: 2, 16>, scalar_prefetch = 0 : i64, scratch_operands = 13 : i64, tpu.core_type = #tpu.core_type<sc_vector_subcore>, window_params = [{transform_indices = #map}, {transform_indices = #map}, {transform_indices = #map1}, {transform_indices = #map}]} {
    %mul3A = arith.constant 2 : i32
    %mul3A_0 = arith.muli %arg1, %mul3A : i32
    %add3A = arith.addi %mul3A_0, %arg0 : i32
    %mul3A_1 = arith.constant 512 : i32
    %mul3A_2 = arith.muli %add3A, %mul3A_1 : i32
    %broadcast_in_dim3A = arith.constant 0.000000e+00 : f32
    %broadcast_in_dim3A_3 = vector.broadcast %broadcast_in_dim3A : f32 to vector<16xf32>
    %dma_start3A = arith.constant 0 : i32
    %dma_start3A_4 = arith.constant 0 : i32
    %dma_start3A_5 = tpu.memref_slice %arg4[%add3A, %dma_start3A, %dma_start3A_4] : memref<32x4x128xi32, #tpu.memory_space<hbm>> -> memref<1x4x128xi32, #tpu.memory_space<hbm>>
    %dma_start3A_6 = tpu.memref_squeeze %dma_start3A_5 : memref<1x4x128xi32, #tpu.memory_space<hbm>> -> memref<4x128xi32, #tpu.memory_space<hbm>>
    %dma_start3A_7 = arith.constant 0 : i32
    %dma_start3A_8 = arith.constant 0 : i32
    %dma_start3A_9 = tpu.memref_slice %arg4[%add3A, %dma_start3A_7, %dma_start3A_8] : memref<32x4x128xi32, #tpu.memory_space<hbm>> -> memref<1x4x128xi32, #tpu.memory_space<hbm>>
    %dma_start3A_10 = tpu.memref_squeeze %dma_start3A_9 : memref<1x4x128xi32, #tpu.memory_space<hbm>> -> memref<4x128xi32, #tpu.memory_space<hbm>>
    tpu.enqueue_dma source(%dma_start3A_10 : memref<4x128xi32, #tpu.memory_space<hbm>>) target(%arg6 : memref<4x128xi32, #tpu.memory_space<vmem>>) target_semaphore(%arg16 : memref<!tpu.dma_semaphore, #tpu.memory_space<semaphore_mem>>)
    %add3A_11 = arith.constant 0 : i32
    %add3A_12 = arith.addi %mul3A_2, %add3A_11 : i32
    %dma_start3A_13 = arith.constant 0 : i32
    %dma_start3A_14 = arith.constant 0 : i32
    %dma_start3A_15 = arith.constant 0 : i32
    %dma_start3A_16 = tpu.memref_slice %arg7[%dma_start3A_13, %dma_start3A_14, %dma_start3A_15] : memref<4x128x128xf32, #tpu.memory_space<vmem>> -> memref<1x128x128xf32, #tpu.memory_space<vmem>>
    %dma_start3A_17 = tpu.memref_squeeze %dma_start3A_16 : memref<1x128x128xf32, #tpu.memory_space<vmem>> -> memref<128x128xf32, #tpu.memory_space<vmem>>
    %dma_start3A_18 = arith.constant 0 : i32
    %dma_start3A_19 = tpu.memref_slice %arg2[%add3A_12, %dma_start3A_18] : memref<16384x128xf32, #tpu.memory_space<hbm>> -> memref<128x128xf32, #tpu.memory_space<hbm>>
    %dma_start3A_20 = arith.constant 0 : i32
    %dma_start3A_21 = arith.constant 0 : i32
    %dma_start3A_22 = tpu.memref_slice %arg7[%dma_start3A_13, %dma_start3A_20, %dma_start3A_21] : memref<4x128x128xf32, #tpu.memory_space<vmem>> -> memref<1x128x128xf32, #tpu.memory_space<vmem>>
    %dma_start3A_23 = tpu.memref_squeeze %dma_start3A_22 : memref<1x128x128xf32, #tpu.memory_space<vmem>> -> memref<128x128xf32, #tpu.memory_space<vmem>>
    %dma_start3A_24 = arith.constant 0 : i32
    %dma_start3A_25 = tpu.memref_slice %arg2[%add3A_12, %dma_start3A_24] : memref<16384x128xf32, #tpu.memory_space<hbm>> -> memref<128x128xf32, #tpu.memory_space<hbm>>
    tpu.enqueue_dma source(%dma_start3A_25 : memref<128x128xf32, #tpu.memory_space<hbm>>) target(%dma_start3A_23 : memref<128x128xf32, #tpu.memory_space<vmem>>) target_semaphore(%arg12 : memref<!tpu.dma_semaphore, #tpu.memory_space<semaphore_mem>>)
    %add3A_26 = arith.constant 128 : i32
    %add3A_27 = arith.addi %mul3A_2, %add3A_26 : i32
    %dma_start3A_28 = arith.constant 1 : i32
    %dma_start3A_29 = arith.constant 0 : i32
    %dma_start3A_30 = arith.constant 0 : i32
    %dma_start3A_31 = tpu.memref_slice %arg7[%dma_start3A_28, %dma_start3A_29, %dma_start3A_30] : memref<4x128x128xf32, #tpu.memory_space<vmem>> -> memref<1x128x128xf32, #tpu.memory_space<vmem>>
    %dma_start3A_32 = tpu.memref_squeeze %dma_start3A_31 : memref<1x128x128xf32, #tpu.memory_space<vmem>> -> memref<128x128xf32, #tpu.memory_space<vmem>>
    %dma_start3A_33 = arith.constant 0 : i32
    %dma_start3A_34 = tpu.memref_slice %arg2[%add3A_27, %dma_start3A_33] : memref<16384x128xf32, #tpu.memory_space<hbm>> -> memref<128x128xf32, #tpu.memory_space<hbm>>
    %dma_start3A_35 = arith.constant 0 : i32
    %dma_start3A_36 = arith.constant 0 : i32
    %dma_start3A_37 = tpu.memref_slice %arg7[%dma_start3A_28, %dma_start3A_35, %dma_start3A_36] : memref<4x128x128xf32, #tpu.memory_space<vmem>> -> memref<1x128x128xf32, #tpu.memory_space<vmem>>
    %dma_start3A_38 = tpu.memref_squeeze %dma_start3A_37 : memref<1x128x128xf32, #tpu.memory_space<vmem>> -> memref<128x128xf32, #tpu.memory_space<vmem>>
    %dma_start3A_39 = arith.constant 0 : i32
    %dma_start3A_40 = tpu.memref_slice %arg2[%add3A_27, %dma_start3A_39] : memref<16384x128xf32, #tpu.memory_space<hbm>> -> memref<128x128xf32, #tpu.memory_space<hbm>>
    tpu.enqueue_dma source(%dma_start3A_40 : memref<128x128xf32, #tpu.memory_space<hbm>>) target(%dma_start3A_38 : memref<128x128xf32, #tpu.memory_space<vmem>>) target_semaphore(%arg13 : memref<!tpu.dma_semaphore, #tpu.memory_space<semaphore_mem>>)
    %add3A_41 = arith.constant 256 : i32
    %add3A_42 = arith.addi %mul3A_2, %add3A_41 : i32
    %dma_start3A_43 = arith.constant 2 : i32
    %dma_start3A_44 = arith.constant 0 : i32
    %dma_start3A_45 = arith.constant 0 : i32
    %dma_start3A_46 = tpu.memref_slice %arg7[%dma_start3A_43, %dma_start3A_44, %dma_start3A_45] : memref<4x128x128xf32, #tpu.memory_space<vmem>> -> memref<1x128x128xf32, #tpu.memory_space<vmem>>
    %dma_start3A_47 = tpu.memref_squeeze %dma_start3A_46 : memref<1x128x128xf32, #tpu.memory_space<vmem>> -> memref<128x128xf32, #tpu.memory_space<vmem>>
    %dma_start3A_48 = arith.constant 0 : i32
    %dma_start3A_49 = tpu.memref_slice %arg2[%add3A_42, %dma_start3A_48] : memref<16384x128xf32, #tpu.memory_space<hbm>> -> memref<128x128xf32, #tpu.memory_space<hbm>>
    %dma_start3A_50 = arith.constant 0 : i32
    %dma_start3A_51 = arith.constant 0 : i32
    %dma_start3A_52 = tpu.memref_slice %arg7[%dma_start3A_43, %dma_start3A_50, %dma_start3A_51] : memref<4x128x128xf32, #tpu.memory_space<vmem>> -> memref<1x128x128xf32, #tpu.memory_space<vmem>>
    %dma_start3A_53 = tpu.memref_squeeze %dma_start3A_52 : memref<1x128x128xf32, #tpu.memory_space<vmem>> -> memref<128x128xf32, #tpu.memory_space<vmem>>
    %dma_start3A_54 = arith.constant 0 : i32
    %dma_start3A_55 = tpu.memref_slice %arg2[%add3A_42, %dma_start3A_54] : memref<16384x128xf32, #tpu.memory_space<hbm>> -> memref<128x128xf32, #tpu.memory_space<hbm>>
    tpu.enqueue_dma source(%dma_start3A_55 : memref<128x128xf32, #tpu.memory_space<hbm>>) target(%dma_start3A_53 : memref<128x128xf32, #tpu.memory_space<vmem>>) target_semaphore(%arg14 : memref<!tpu.dma_semaphore, #tpu.memory_space<semaphore_mem>>)
    %add3A_56 = arith.constant 384 : i32
    %add3A_57 = arith.addi %mul3A_2, %add3A_56 : i32
    %dma_start3A_58 = arith.constant 3 : i32
    %dma_start3A_59 = arith.constant 0 : i32
    %dma_start3A_60 = arith.constant 0 : i32
    %dma_start3A_61 = tpu.memref_slice %arg7[%dma_start3A_58, %dma_start3A_59, %dma_start3A_60] : memref<4x128x128xf32, #tpu.memory_space<vmem>> -> memref<1x128x128xf32, #tpu.memory_space<vmem>>
    %dma_start3A_62 = tpu.memref_squeeze %dma_start3A_61 : memref<1x128x128xf32, #tpu.memory_space<vmem>> -> memref<128x128xf32, #tpu.memory_space<vmem>>
    %dma_start3A_63 = arith.constant 0 : i32
    %dma_start3A_64 = tpu.memref_slice %arg2[%add3A_57, %dma_start3A_63] : memref<16384x128xf32, #tpu.memory_space<hbm>> -> memref<128x128xf32, #tpu.memory_space<hbm>>
    %dma_start3A_65 = arith.constant 0 : i32
    %dma_start3A_66 = arith.constant 0 : i32
    %dma_start3A_67 = tpu.memref_slice %arg7[%dma_start3A_58, %dma_start3A_65, %dma_start3A_66] : memref<4x128x128xf32, #tpu.memory_space<vmem>> -> memref<1x128x128xf32, #tpu.memory_space<vmem>>
    %dma_start3A_68 = tpu.memref_squeeze %dma_start3A_67 : memref<1x128x128xf32, #tpu.memory_space<vmem>> -> memref<128x128xf32, #tpu.memory_space<vmem>>
    %dma_start3A_69 = arith.constant 0 : i32
    %dma_start3A_70 = tpu.memref_slice %arg2[%add3A_57, %dma_start3A_69] : memref<16384x128xf32, #tpu.memory_space<hbm>> -> memref<128x128xf32, #tpu.memory_space<hbm>>
    tpu.enqueue_dma source(%dma_start3A_70 : memref<128x128xf32, #tpu.memory_space<hbm>>) target(%dma_start3A_68 : memref<128x128xf32, #tpu.memory_space<vmem>>) target_semaphore(%arg15 : memref<!tpu.dma_semaphore, #tpu.memory_space<semaphore_mem>>)
    %eq3A = arith.constant 15 : i32
    %eq3A_71 = arith.cmpi eq, %arg1, %eq3A : i32
    %convert_element_type3A = arith.extui %eq3A_71 : i1 to i32
    %cond3A = arith.constant 0 : i32
    %cond3A_72 = arith.cmpi ne, %convert_element_type3A, %cond3A : i32
    scf.if %cond3A_72 {
      %dma_start3A_290 = arith.constant 0 : i32
      %dma_start3A_291 = arith.constant 0 : i32
      %dma_start3A_292 = tpu.memref_slice %arg9[%dma_start3A_290, %dma_start3A_291] : memref<64x128xf32, #tpu.memory_space<vmem>> -> memref<40x128xf32, #tpu.memory_space<vmem>>
      %dma_start3A_293 = arith.constant 960 : i32
      %dma_start3A_294 = arith.constant 0 : i32
      %dma_start3A_295 = tpu.memref_slice %arg3[%dma_start3A_293, %dma_start3A_294] : memref<1000x128xf32, #tpu.memory_space<hbm>> -> memref<40x128xf32, #tpu.memory_space<hbm>>
      %dma_start3A_296 = arith.constant 0 : i32
      %dma_start3A_297 = arith.constant 0 : i32
      %dma_start3A_298 = tpu.memref_slice %arg9[%dma_start3A_296, %dma_start3A_297] : memref<64x128xf32, #tpu.memory_space<vmem>> -> memref<40x128xf32, #tpu.memory_space<vmem>>
      %dma_start3A_299 = arith.constant 960 : i32
      %dma_start3A_300 = arith.constant 0 : i32
      %dma_start3A_301 = tpu.memref_slice %arg3[%dma_start3A_299, %dma_start3A_300] : memref<1000x128xf32, #tpu.memory_space<hbm>> -> memref<40x128xf32, #tpu.memory_space<hbm>>
      tpu.enqueue_dma source(%dma_start3A_301 : memref<40x128xf32, #tpu.memory_space<hbm>>) target(%dma_start3A_298 : memref<40x128xf32, #tpu.memory_space<vmem>>) target_semaphore(%arg17 : memref<!tpu.dma_semaphore, #tpu.memory_space<semaphore_mem>>)
    } else {
    }
    %ne3A = arith.constant 15 : i32
    %ne3A_73 = arith.cmpi ne, %arg1, %ne3A : i32
    %convert_element_type3A_74 = arith.extui %ne3A_73 : i1 to i32
    %cond3A_75 = arith.constant 0 : i32
    %cond3A_76 = arith.cmpi ne, %convert_element_type3A_74, %cond3A_75 : i32
    scf.if %cond3A_76 {
      %mul3A_290 = arith.constant 64 : i32
      %mul3A_291 = arith.muli %arg1, %mul3A_290 : i32
      %dma_start3A_292 = arith.constant 0 : i32
      %dma_start3A_293 = tpu.memref_slice %arg3[%mul3A_291, %dma_start3A_292] : memref<1000x128xf32, #tpu.memory_space<hbm>> -> memref<64x128xf32, #tpu.memory_space<hbm>>
      %dma_start3A_294 = arith.constant 0 : i32
      %dma_start3A_295 = tpu.memref_slice %arg3[%mul3A_291, %dma_start3A_294] : memref<1000x128xf32, #tpu.memory_space<hbm>> -> memref<64x128xf32, #tpu.memory_space<hbm>>
      tpu.enqueue_dma source(%dma_start3A_295 : memref<64x128xf32, #tpu.memory_space<hbm>>) target(%arg9 : memref<64x128xf32, #tpu.memory_space<vmem>>) target_semaphore(%arg17 : memref<!tpu.dma_semaphore, #tpu.memory_space<semaphore_mem>>)
    } else {
    }
    %scan3A = arith.constant 0 : i32
    %scan3A_77 = arith.constant 0 : i32
    %scan3A_78 = arith.constant 64 : i32
    %scan3A_79 = arith.addi %scan3A_77, %scan3A_78 : i32
    %scan3A_80 = arith.constant 1 : i32
    %scan3A_81 = scf.for %scan3A_290 = %scan3A_77 to %scan3A_79 step %scan3A_80 iter_args(%scan3A_291 = %scan3A) -> (i32)  : i32 {
      %swap3A_292 = arith.index_cast %scan3A_290 : i32 to index
      %swap3A_293 = arith.constant 0 : index
      %swap3A_294 = tpu.vector_load %arg8[%swap3A_292, %swap3A_293] {strides = array<i32>} : memref<64x128xf32, #tpu.memory_space<vmem>>, vector<1x16xf32>,
      %swap3A_295 = vector.shape_cast %swap3A_294 : vector<1x16xf32> to vector<16xf32>
      %swap3A_296 = vector.shape_cast %broadcast_in_dim3A_3 : vector<16xf32> to vector<1x16xf32>
      tpu.vector_store %arg8[%swap3A_292, %swap3A_293], %swap3A_296 {strides = array<i32>} : memref<64x128xf32, #tpu.memory_space<vmem>>, vector<1x16xf32>,
      %swap3A_297 = arith.index_cast %scan3A_290 : i32 to index
      %swap3A_298 = arith.constant 16 : index
      %swap3A_299 = tpu.vector_load %arg8[%swap3A_297, %swap3A_298] {strides = array<i32>} : memref<64x128xf32, #tpu.memory_space<vmem>>, vector<1x16xf32>,
      %swap3A_300 = vector.shape_cast %swap3A_299 : vector<1x16xf32> to vector<16xf32>
      %swap3A_301 = vector.shape_cast %broadcast_in_dim3A_3 : vector<16xf32> to vector<1x16xf32>
      tpu.vector_store %arg8[%swap3A_297, %swap3A_298], %swap3A_301 {strides = array<i32>} : memref<64x128xf32, #tpu.memory_space<vmem>>, vector<1x16xf32>,
      %swap3A_302 = arith.index_cast %scan3A_290 : i32 to index
      %swap3A_303 = arith.constant 32 : index
      %swap3A_304 = tpu.vector_load %arg8[%swap3A_302, %swap3A_303] {strides = array<i32>} : memref<64x128xf32, #tpu.memory_space<vmem>>, vector<1x16xf32>,
      %swap3A_305 = vector.shape_cast %swap3A_304 : vector<1x16xf32> to vector<16xf32>
      %swap3A_306 = vector.shape_cast %broadcast_in_dim3A_3 : vector<16xf32> to vector<1x16xf32>
      tpu.vector_store %arg8[%swap3A_302, %swap3A_303], %swap3A_306 {strides = array<i32>} : memref<64x128xf32, #tpu.memory_space<vmem>>, vector<1x16xf32>,
      %swap3A_307 = arith.index_cast %scan3A_290 : i32 to index
      %swap3A_308 = arith.constant 48 : index
      %swap3A_309 = tpu.vector_load %arg8[%swap3A_307, %swap3A_308] {strides = array<i32>} : memref<64x128xf32, #tpu.memory_space<vmem>>, vector<1x16xf32>,
      %swap3A_310 = vector.shape_cast %swap3A_309 : vector<1x16xf32> to vector<16xf32>
      %swap3A_311 = vector.shape_cast %broadcast_in_dim3A_3 : vector<16xf32> to vector<1x16xf32>
      tpu.vector_store %arg8[%swap3A_307, %swap3A_308], %swap3A_311 {strides = array<i32>} : memref<64x128xf32, #tpu.memory_space<vmem>>, vector<1x16xf32>,
      %swap3A_312 = arith.index_cast %scan3A_290 : i32 to index
      %swap3A_313 = arith.constant 64 : index
      %swap3A_314 = tpu.vector_load %arg8[%swap3A_312, %swap3A_313] {strides = array<i32>} : memref<64x128xf32, #tpu.memory_space<vmem>>, vector<1x16xf32>,
      %swap3A_315 = vector.shape_cast %swap3A_314 : vector<1x16xf32> to vector<16xf32>
      %swap3A_316 = vector.shape_cast %broadcast_in_dim3A_3 : vector<16xf32> to vector<1x16xf32>
      tpu.vector_store %arg8[%swap3A_312, %swap3A_313], %swap3A_316 {strides = array<i32>} : memref<64x128xf32, #tpu.memory_space<vmem>>, vector<1x16xf32>,
      %swap3A_317 = arith.index_cast %scan3A_290 : i32 to index
      %swap3A_318 = arith.constant 80 : index
      %swap3A_319 = tpu.vector_load %arg8[%swap3A_317, %swap3A_318] {strides = array<i32>} : memref<64x128xf32, #tpu.memory_space<vmem>>, vector<1x16xf32>,
      %swap3A_320 = vector.shape_cast %swap3A_319 : vector<1x16xf32> to vector<16xf32>
      %swap3A_321 = vector.shape_cast %broadcast_in_dim3A_3 : vector<16xf32> to vector<1x16xf32>
      tpu.vector_store %arg8[%swap3A_317, %swap3A_318], %swap3A_321 {strides = array<i32>} : memref<64x128xf32, #tpu.memory_space<vmem>>, vector<1x16xf32>,
      %swap3A_322 = arith.index_cast %scan3A_290 : i32 to index
      %swap3A_323 = arith.constant 96 : index
      %swap3A_324 = tpu.vector_load %arg8[%swap3A_322, %swap3A_323] {strides = array<i32>} : memref<64x128xf32, #tpu.memory_space<vmem>>, vector<1x16xf32>,
      %swap3A_325 = vector.shape_cast %swap3A_324 : vector<1x16xf32> to vector<16xf32>
      %swap3A_326 = vector.shape_cast %broadcast_in_dim3A_3 : vector<16xf32> to vector<1x16xf32>
      tpu.vector_store %arg8[%swap3A_322, %swap3A_323], %swap3A_326 {strides = array<i32>} : memref<64x128xf32, #tpu.memory_space<vmem>>, vector<1x16xf32>,
      %swap3A_327 = arith.index_cast %scan3A_290 : i32 to index
      %swap3A_328 = arith.constant 112 : index
      %swap3A_329 = tpu.vector_load %arg8[%swap3A_327, %swap3A_328] {strides = array<i32>} : memref<64x128xf32, #tpu.memory_space<vmem>>, vector<1x16xf32>,
      %swap3A_330 = vector.shape_cast %swap3A_329 : vector<1x16xf32> to vector<16xf32>
      %swap3A_331 = vector.shape_cast %broadcast_in_dim3A_3 : vector<16xf32> to vector<1x16xf32>
      tpu.vector_store %arg8[%swap3A_327, %swap3A_328], %swap3A_331 {strides = array<i32>} : memref<64x128xf32, #tpu.memory_space<vmem>>, vector<1x16xf32>,
      %scan3A_332 = arith.constant 0 : i32
      scf.yield %scan3A_332 : i32
    }
    %scan3A_82 = arith.constant 64 : i32
    %eq3A_83 = arith.constant 15 : i32
    %eq3A_84 = arith.cmpi eq, %arg1, %eq3A_83 : i32
    %convert_element_type3A_85 = arith.extui %eq3A_84 : i1 to i32
    %cond3A_86 = arith.constant 0 : i32
    %cond3A_87 = arith.cmpi ne, %convert_element_type3A_85, %cond3A_86 : i32
    scf.if %cond3A_87 {
      %scan3A_290 = arith.constant 0 : i32
      %scan3A_291 = arith.constant 40 : i32
      %scan3A_292 = arith.constant 24 : i32
      %scan3A_293 = arith.addi %scan3A_291, %scan3A_292 : i32
      %scan3A_294 = arith.constant 1 : i32
      %scan3A_295 = scf.for %scan3A_297 = %scan3A_291 to %scan3A_293 step %scan3A_294 iter_args(%scan3A_298 = %scan3A_290) -> (i32)  : i32 {
        %swap3A_299 = arith.index_cast %scan3A_297 : i32 to index
        %swap3A_300 = arith.constant 0 : index
        %swap3A_301 = tpu.vector_load %arg9[%swap3A_299, %swap3A_300] {strides = array<i32>} : memref<64x128xf32, #tpu.memory_space<vmem>>, vector<1x16xf32>,
        %swap3A_302 = vector.shape_cast %swap3A_301 : vector<1x16xf32> to vector<16xf32>
        %swap3A_303 = vector.shape_cast %broadcast_in_dim3A_3 : vector<16xf32> to vector<1x16xf32>
        tpu.vector_store %arg9[%swap3A_299, %swap3A_300], %swap3A_303 {strides = array<i32>} : memref<64x128xf32, #tpu.memory_space<vmem>>, vector<1x16xf32>,
        %swap3A_304 = arith.index_cast %scan3A_297 : i32 to index
        %swap3A_305 = arith.constant 16 : index
        %swap3A_306 = tpu.vector_load %arg9[%swap3A_304, %swap3A_305] {strides = array<i32>} : memref<64x128xf32, #tpu.memory_space<vmem>>, vector<1x16xf32>,
        %swap3A_307 = vector.shape_cast %swap3A_306 : vector<1x16xf32> to vector<16xf32>
        %swap3A_308 = vector.shape_cast %broadcast_in_dim3A_3 : vector<16xf32> to vector<1x16xf32>
        tpu.vector_store %arg9[%swap3A_304, %swap3A_305], %swap3A_308 {strides = array<i32>} : memref<64x128xf32, #tpu.memory_space<vmem>>, vector<1x16xf32>,
        %swap3A_309 = arith.index_cast %scan3A_297 : i32 to index
        %swap3A_310 = arith.constant 32 : index
        %swap3A_311 = tpu.vector_load %arg9[%swap3A_309, %swap3A_310] {strides = array<i32>} : memref<64x128xf32, #tpu.memory_space<vmem>>, vector<1x16xf32>,
        %swap3A_312 = vector.shape_cast %swap3A_311 : vector<1x16xf32> to vector<16xf32>
        %swap3A_313 = vector.shape_cast %broadcast_in_dim3A_3 : vector<16xf32> to vector<1x16xf32>
        tpu.vector_store %arg9[%swap3A_309, %swap3A_310], %swap3A_313 {strides = array<i32>} : memref<64x128xf32, #tpu.memory_space<vmem>>, vector<1x16xf32>,
        %swap3A_314 = arith.index_cast %scan3A_297 : i32 to index
        %swap3A_315 = arith.constant 48 : index
        %swap3A_316 = tpu.vector_load %arg9[%swap3A_314, %swap3A_315] {strides = array<i32>} : memref<64x128xf32, #tpu.memory_space<vmem>>, vector<1x16xf32>,
        %swap3A_317 = vector.shape_cast %swap3A_316 : vector<1x16xf32> to vector<16xf32>
        %swap3A_318 = vector.shape_cast %broadcast_in_dim3A_3 : vector<16xf32> to vector<1x16xf32>
        tpu.vector_store %arg9[%swap3A_314, %swap3A_315], %swap3A_318 {strides = array<i32>} : memref<64x128xf32, #tpu.memory_space<vmem>>, vector<1x16xf32>,
        %swap3A_319 = arith.index_cast %scan3A_297 : i32 to index
        %swap3A_320 = arith.constant 64 : index
        %swap3A_321 = tpu.vector_load %arg9[%swap3A_319, %swap3A_320] {strides = array<i32>} : memref<64x128xf32, #tpu.memory_space<vmem>>, vector<1x16xf32>,
        %swap3A_322 = vector.shape_cast %swap3A_321 : vector<1x16xf32> to vector<16xf32>
        %swap3A_323 = vector.shape_cast %broadcast_in_dim3A_3 : vector<16xf32> to vector<1x16xf32>
        tpu.vector_store %arg9[%swap3A_319, %swap3A_320], %swap3A_323 {strides = array<i32>} : memref<64x128xf32, #tpu.memory_space<vmem>>, vector<1x16xf32>,
        %swap3A_324 = arith.index_cast %scan3A_297 : i32 to index
        %swap3A_325 = arith.constant 80 : index
        %swap3A_326 = tpu.vector_load %arg9[%swap3A_324, %swap3A_325] {strides = array<i32>} : memref<64x128xf32, #tpu.memory_space<vmem>>, vector<1x16xf32>,
        %swap3A_327 = vector.shape_cast %swap3A_326 : vector<1x16xf32> to vector<16xf32>
        %swap3A_328 = vector.shape_cast %broadcast_in_dim3A_3 : vector<16xf32> to vector<1x16xf32>
        tpu.vector_store %arg9[%swap3A_324, %swap3A_325], %swap3A_328 {strides = array<i32>} : memref<64x128xf32, #tpu.memory_space<vmem>>, vector<1x16xf32>,
        %swap3A_329 = arith.index_cast %scan3A_297 : i32 to index
        %swap3A_330 = arith.constant 96 : index
        %swap3A_331 = tpu.vector_load %arg9[%swap3A_329, %swap3A_330] {strides = array<i32>} : memref<64x128xf32, #tpu.memory_space<vmem>>, vector<1x16xf32>,
        %swap3A_332 = vector.shape_cast %swap3A_331 : vector<1x16xf32> to vector<16xf32>
        %swap3A_333 = vector.shape_cast %broadcast_in_dim3A_3 : vector<16xf32> to vector<1x16xf32>
        tpu.vector_store %arg9[%swap3A_329, %swap3A_330], %swap3A_333 {strides = array<i32>} : memref<64x128xf32, #tpu.memory_space<vmem>>, vector<1x16xf32>,
        %swap3A_334 = arith.index_cast %scan3A_297 : i32 to index
        %swap3A_335 = arith.constant 112 : index
        %swap3A_336 = tpu.vector_load %arg9[%swap3A_334, %swap3A_335] {strides = array<i32>} : memref<64x128xf32, #tpu.memory_space<vmem>>, vector<1x16xf32>,
        %swap3A_337 = vector.shape_cast %swap3A_336 : vector<1x16xf32> to vector<16xf32>
        %swap3A_338 = vector.shape_cast %broadcast_in_dim3A_3 : vector<16xf32> to vector<1x16xf32>
        tpu.vector_store %arg9[%swap3A_334, %swap3A_335], %swap3A_338 {strides = array<i32>} : memref<64x128xf32, #tpu.memory_space<vmem>>, vector<1x16xf32>,
        %scan3A_339 = arith.constant 0 : i32
        scf.yield %scan3A_339 : i32
      }
      %scan3A_296 = arith.constant 24 : i32
    } else {
    }
    %mul3A_88 = arith.constant 64 : i32
    %mul3A_89 = arith.muli %arg1, %mul3A_88 : i32
    "tpu.region"() ({
      %run_scoped3A = tpu.sem_alloc : memref<!tpu.dma_semaphore, #tpu.memory_space<semaphore_mem>>
      %dma_start3A_290 = arith.constant 0 : i32
      %dma_start3A_291 = tpu.memref_slice %arg11[%mul3A_89, %dma_start3A_290] : memref<1024x128xf32, #tpu.memory_space<vmem_shared>> -> memref<64x128xf32, #tpu.memory_space<vmem_shared>>
      %dma_start3A_292 = arith.constant 0 : i32
      %dma_start3A_293 = tpu.memref_slice %arg11[%mul3A_89, %dma_start3A_292] : memref<1024x128xf32, #tpu.memory_space<vmem_shared>> -> memref<64x128xf32, #tpu.memory_space<vmem_shared>>
      tpu.enqueue_dma source(%arg8 : memref<64x128xf32, #tpu.memory_space<vmem>>) target(%dma_start3A_293 : memref<64x128xf32, #tpu.memory_space<vmem_shared>>) target_semaphore(%run_scoped3A : memref<!tpu.dma_semaphore, #tpu.memory_space<semaphore_mem>>)
      %dma_wait3A_294 = arith.constant 0 : i32
      %dma_wait3A_295 = tpu.memref_slice %arg11[%mul3A_89, %dma_wait3A_294] : memref<1024x128xf32, #tpu.memory_space<vmem_shared>> -> memref<64x128xf32, #tpu.memory_space<vmem_shared>>
      %dma_wait3A_296 = arith.constant 0 : i32
      %dma_wait3A_297 = tpu.memref_slice %arg11[%mul3A_89, %dma_wait3A_296] : memref<1024x128xf32, #tpu.memory_space<vmem_shared>> -> memref<64x128xf32, #tpu.memory_space<vmem_shared>>
      tpu.wait_dma2 semaphore(%run_scoped3A : memref<!tpu.dma_semaphore, #tpu.memory_space<semaphore_mem>>) src(%arg8 : memref<64x128xf32, #tpu.memory_space<vmem>>) dst(%dma_wait3A_297 : memref<64x128xf32, #tpu.memory_space<vmem_shared>>)
      tpu.yield
    }) : () -> ()
    %dma_wait3A = arith.constant 0 : i32
    %dma_wait3A_90 = arith.constant 0 : i32
    %dma_wait3A_91 = tpu.memref_slice %arg4[%add3A, %dma_wait3A, %dma_wait3A_90] : memref<32x4x128xi32, #tpu.memory_space<hbm>> -> memref<1x4x128xi32, #tpu.memory_space<hbm>>
    %dma_wait3A_92 = tpu.memref_squeeze %dma_wait3A_91 : memref<1x4x128xi32, #tpu.memory_space<hbm>> -> memref<4x128xi32, #tpu.memory_space<hbm>>
    %dma_wait3A_93 = arith.constant 0 : i32
    %dma_wait3A_94 = arith.constant 0 : i32
    %dma_wait3A_95 = tpu.memref_slice %arg4[%add3A, %dma_wait3A_93, %dma_wait3A_94] : memref<32x4x128xi32, #tpu.memory_space<hbm>> -> memref<1x4x128xi32, #tpu.memory_space<hbm>>
    %dma_wait3A_96 = tpu.memref_squeeze %dma_wait3A_95 : memref<1x4x128xi32, #tpu.memory_space<hbm>> -> memref<4x128xi32, #tpu.memory_space<hbm>>
    tpu.wait_dma2 semaphore(%arg16 : memref<!tpu.dma_semaphore, #tpu.memory_space<semaphore_mem>>) src(%dma_wait3A_96 : memref<4x128xi32, #tpu.memory_space<hbm>>) dst(%arg6 : memref<4x128xi32, #tpu.memory_space<vmem>>)
    %barrier3A = arith.constant 0 : index
    tpu.barrier barrier_id(%barrier3A)
    %dma_wait3A_97 = arith.constant 0 : i32
    %dma_wait3A_98 = arith.constant 0 : i32
    %dma_wait3A_99 = arith.constant 0 : i32
    %dma_wait3A_100 = tpu.memref_slice %arg7[%dma_wait3A_97, %dma_wait3A_98, %dma_wait3A_99] : memref<4x128x128xf32, #tpu.memory_space<vmem>> -> memref<1x128x128xf32, #tpu.memory_space<vmem>>
    %dma_wait3A_101 = tpu.memref_squeeze %dma_wait3A_100 : memref<1x128x128xf32, #tpu.memory_space<vmem>> -> memref<128x128xf32, #tpu.memory_space<vmem>>
    %dma_wait3A_102 = arith.constant 0 : i32
    %dma_wait3A_103 = tpu.memref_slice %arg2[%add3A_12, %dma_wait3A_102] : memref<16384x128xf32, #tpu.memory_space<hbm>> -> memref<128x128xf32, #tpu.memory_space<hbm>>
    %dma_wait3A_104 = arith.constant 0 : i32
    %dma_wait3A_105 = arith.constant 0 : i32
    %dma_wait3A_106 = tpu.memref_slice %arg7[%dma_wait3A_97, %dma_wait3A_104, %dma_wait3A_105] : memref<4x128x128xf32, #tpu.memory_space<vmem>> -> memref<1x128x128xf32, #tpu.memory_space<vmem>>
    %dma_wait3A_107 = tpu.memref_squeeze %dma_wait3A_106 : memref<1x128x128xf32, #tpu.memory_space<vmem>> -> memref<128x128xf32, #tpu.memory_space<vmem>>
    %dma_wait3A_108 = arith.constant 0 : i32
    %dma_wait3A_109 = tpu.memref_slice %arg2[%add3A_12, %dma_wait3A_108] : memref<16384x128xf32, #tpu.memory_space<hbm>> -> memref<128x128xf32, #tpu.memory_space<hbm>>
    tpu.wait_dma2 semaphore(%arg12 : memref<!tpu.dma_semaphore, #tpu.memory_space<semaphore_mem>>) src(%dma_wait3A_109 : memref<128x128xf32, #tpu.memory_space<hbm>>) dst(%dma_wait3A_107 : memref<128x128xf32, #tpu.memory_space<vmem>>)
    %dma_start3A_110 = arith.constant 0 : i32
    %dma_start3A_111 = arith.constant 0 : i32
    %dma_start3A_112 = arith.constant 0 : i32
    %dma_start3A_113 = arith.constant 0 : i32
    %dma_start3A_114 = tpu.memref_slice %arg7[%dma_start3A_110, %dma_start3A_112, %dma_start3A_113] : memref<4x128x128xf32, #tpu.memory_space<vmem>> -> memref<1x128x128xf32, #tpu.memory_space<vmem>>
    %dma_start3A_115 = tpu.memref_squeeze %dma_start3A_114 : memref<1x128x128xf32, #tpu.memory_space<vmem>> -> memref<128x128xf32, #tpu.memory_space<vmem>>
    %dma_start3A_116 = arith.constant 0 : i32
    %dma_start3A_117 = tpu.memref_slice %arg6[%dma_start3A_111, %dma_start3A_116] : memref<4x128xi32, #tpu.memory_space<vmem>> -> memref<1x128xi32, #tpu.memory_space<vmem>>
    %dma_start3A_118 = tpu.memref_squeeze %dma_start3A_117 : memref<1x128xi32, #tpu.memory_space<vmem>> -> memref<128xi32, #tpu.memory_space<vmem>>
    %dma_start3A_119 = arith.constant 0 : i32
    %dma_start3A_120 = arith.constant 0 : i32
    %dma_start3A_121 = tpu.memref_slice %arg11[%dma_start3A_119, %dma_start3A_120] : memref<1024x128xf32, #tpu.memory_space<vmem_shared>> -> memref<1024x128xf32, #tpu.memory_space<vmem_shared>>
    tpu.enqueue_indirect_dma source(%dma_start3A_115 : memref<128x128xf32, #tpu.memory_space<vmem>>) target(%dma_start3A_121 : memref<1024x128xf32, #tpu.memory_space<vmem_shared>>) offsets(%dma_start3A_118 : memref<128xi32, #tpu.memory_space<vmem>>) semaphore(%arg18 : memref<!tpu.dma_semaphore, #tpu.memory_space<semaphore_mem>>) {add = true}
    %dma_wait3A_122 = arith.constant 1 : i32
    %dma_wait3A_123 = arith.constant 0 : i32
    %dma_wait3A_124 = arith.constant 0 : i32
    %dma_wait3A_125 = tpu.memref_slice %arg7[%dma_wait3A_122, %dma_wait3A_123, %dma_wait3A_124] : memref<4x128x128xf32, #tpu.memory_space<vmem>> -> memref<1x128x128xf32, #tpu.memory_space<vmem>>
    %dma_wait3A_126 = tpu.memref_squeeze %dma_wait3A_125 : memref<1x128x128xf32, #tpu.memory_space<vmem>> -> memref<128x128xf32, #tpu.memory_space<vmem>>
    %dma_wait3A_127 = arith.constant 0 : i32
    %dma_wait3A_128 = tpu.memref_slice %arg2[%add3A_27, %dma_wait3A_127] : memref<16384x128xf32, #tpu.memory_space<hbm>> -> memref<128x128xf32, #tpu.memory_space<hbm>>
    %dma_wait3A_129 = arith.constant 0 : i32
    %dma_wait3A_130 = arith.constant 0 : i32
    %dma_wait3A_131 = tpu.memref_slice %arg7[%dma_wait3A_122, %dma_wait3A_129, %dma_wait3A_130] : memref<4x128x128xf32, #tpu.memory_space<vmem>> -> memref<1x128x128xf32, #tpu.memory_space<vmem>>
    %dma_wait3A_132 = tpu.memref_squeeze %dma_wait3A_131 : memref<1x128x128xf32, #tpu.memory_space<vmem>> -> memref<128x128xf32, #tpu.memory_space<vmem>>
    %dma_wait3A_133 = arith.constant 0 : i32
    %dma_wait3A_134 = tpu.memref_slice %arg2[%add3A_27, %dma_wait3A_133] : memref<16384x128xf32, #tpu.memory_space<hbm>> -> memref<128x128xf32, #tpu.memory_space<hbm>>
    tpu.wait_dma2 semaphore(%arg13 : memref<!tpu.dma_semaphore, #tpu.memory_space<semaphore_mem>>) src(%dma_wait3A_134 : memref<128x128xf32, #tpu.memory_space<hbm>>) dst(%dma_wait3A_132 : memref<128x128xf32, #tpu.memory_space<vmem>>)
    %dma_start3A_135 = arith.constant 1 : i32
    %dma_start3A_136 = arith.constant 1 : i32
    %dma_start3A_137 = arith.constant 0 : i32
    %dma_start3A_138 = arith.constant 0 : i32
    %dma_start3A_139 = tpu.memref_slice %arg7[%dma_start3A_135, %dma_start3A_137, %dma_start3A_138] : memref<4x128x128xf32, #tpu.memory_space<vmem>> -> memref<1x128x128xf32, #tpu.memory_space<vmem>>
    %dma_start3A_140 = tpu.memref_squeeze %dma_start3A_139 : memref<1x128x128xf32, #tpu.memory_space<vmem>> -> memref<128x128xf32, #tpu.memory_space<vmem>>
    %dma_start3A_141 = arith.constant 0 : i32
    %dma_start3A_142 = tpu.memref_slice %arg6[%dma_start3A_136, %dma_start3A_141] : memref<4x128xi32, #tpu.memory_space<vmem>> -> memref<1x128xi32, #tpu.memory_space<vmem>>
    %dma_start3A_143 = tpu.memref_squeeze %dma_start3A_142 : memref<1x128xi32, #tpu.memory_space<vmem>> -> memref<128xi32, #tpu.memory_space<vmem>>
    %dma_start3A_144 = arith.constant 0 : i32
    %dma_start3A_145 = arith.constant 0 : i32
    %dma_start3A_146 = tpu.memref_slice %arg11[%dma_start3A_144, %dma_start3A_145] : memref<1024x128xf32, #tpu.memory_space<vmem_shared>> -> memref<1024x128xf32, #tpu.memory_space<vmem_shared>>
    tpu.enqueue_indirect_dma source(%dma_start3A_140 : memref<128x128xf32, #tpu.memory_space<vmem>>) target(%dma_start3A_146 : memref<1024x128xf32, #tpu.memory_space<vmem_shared>>) offsets(%dma_start3A_143 : memref<128xi32, #tpu.memory_space<vmem>>) semaphore(%arg18 : memref<!tpu.dma_semaphore, #tpu.memory_space<semaphore_mem>>) {add = true}
    %dma_wait3A_147 = arith.constant 2 : i32
    %dma_wait3A_148 = arith.constant 0 : i32
    %dma_wait3A_149 = arith.constant 0 : i32
    %dma_wait3A_150 = tpu.memref_slice %arg7[%dma_wait3A_147, %dma_wait3A_148, %dma_wait3A_149] : memref<4x128x128xf32, #tpu.memory_space<vmem>> -> memref<1x128x128xf32, #tpu.memory_space<vmem>>
    %dma_wait3A_151 = tpu.memref_squeeze %dma_wait3A_150 : memref<1x128x128xf32, #tpu.memory_space<vmem>> -> memref<128x128xf32, #tpu.memory_space<vmem>>
    %dma_wait3A_152 = arith.constant 0 : i32
    %dma_wait3A_153 = tpu.memref_slice %arg2[%add3A_42, %dma_wait3A_152] : memref<16384x128xf32, #tpu.memory_space<hbm>> -> memref<128x128xf32, #tpu.memory_space<hbm>>
    %dma_wait3A_154 = arith.constant 0 : i32
    %dma_wait3A_155 = arith.constant 0 : i32
    %dma_wait3A_156 = tpu.memref_slice %arg7[%dma_wait3A_147, %dma_wait3A_154, %dma_wait3A_155] : memref<4x128x128xf32, #tpu.memory_space<vmem>> -> memref<1x128x128xf32, #tpu.memory_space<vmem>>
    %dma_wait3A_157 = tpu.memref_squeeze %dma_wait3A_156 : memref<1x128x128xf32, #tpu.memory_space<vmem>> -> memref<128x128xf32, #tpu.memory_space<vmem>>
    %dma_wait3A_158 = arith.constant 0 : i32
    %dma_wait3A_159 = tpu.memref_slice %arg2[%add3A_42, %dma_wait3A_158] : memref<16384x128xf32, #tpu.memory_space<hbm>> -> memref<128x128xf32, #tpu.memory_space<hbm>>
    tpu.wait_dma2 semaphore(%arg14 : memref<!tpu.dma_semaphore, #tpu.memory_space<semaphore_mem>>) src(%dma_wait3A_159 : memref<128x128xf32, #tpu.memory_space<hbm>>) dst(%dma_wait3A_157 : memref<128x128xf32, #tpu.memory_space<vmem>>)
    %dma_start3A_160 = arith.constant 2 : i32
    %dma_start3A_161 = arith.constant 2 : i32
    %dma_start3A_162 = arith.constant 0 : i32
    %dma_start3A_163 = arith.constant 0 : i32
    %dma_start3A_164 = tpu.memref_slice %arg7[%dma_start3A_160, %dma_start3A_162, %dma_start3A_163] : memref<4x128x128xf32, #tpu.memory_space<vmem>> -> memref<1x128x128xf32, #tpu.memory_space<vmem>>
    %dma_start3A_165 = tpu.memref_squeeze %dma_start3A_164 : memref<1x128x128xf32, #tpu.memory_space<vmem>> -> memref<128x128xf32, #tpu.memory_space<vmem>>
    %dma_start3A_166 = arith.constant 0 : i32
    %dma_start3A_167 = tpu.memref_slice %arg6[%dma_start3A_161, %dma_start3A_166] : memref<4x128xi32, #tpu.memory_space<vmem>> -> memref<1x128xi32, #tpu.memory_space<vmem>>
    %dma_start3A_168 = tpu.memref_squeeze %dma_start3A_167 : memref<1x128xi32, #tpu.memory_space<vmem>> -> memref<128xi32, #tpu.memory_space<vmem>>
    %dma_start3A_169 = arith.constant 0 : i32
    %dma_start3A_170 = arith.constant 0 : i32
    %dma_start3A_171 = tpu.memref_slice %arg11[%dma_start3A_169, %dma_start3A_170] : memref<1024x128xf32, #tpu.memory_space<vmem_shared>> -> memref<1024x128xf32, #tpu.memory_space<vmem_shared>>
    tpu.enqueue_indirect_dma source(%dma_start3A_165 : memref<128x128xf32, #tpu.memory_space<vmem>>) target(%dma_start3A_171 : memref<1024x128xf32, #tpu.memory_space<vmem_shared>>) offsets(%dma_start3A_168 : memref<128xi32, #tpu.memory_space<vmem>>) semaphore(%arg18 : memref<!tpu.dma_semaphore, #tpu.memory_space<semaphore_mem>>) {add = true}
    %dma_wait3A_172 = arith.constant 3 : i32
    %dma_wait3A_173 = arith.constant 0 : i32
    %dma_wait3A_174 = arith.constant 0 : i32
    %dma_wait3A_175 = tpu.memref_slice %arg7[%dma_wait3A_172, %dma_wait3A_173, %dma_wait3A_174] : memref<4x128x128xf32, #tpu.memory_space<vmem>> -> memref<1x128x128xf32, #tpu.memory_space<vmem>>
    %dma_wait3A_176 = tpu.memref_squeeze %dma_wait3A_175 : memref<1x128x128xf32, #tpu.memory_space<vmem>> -> memref<128x128xf32, #tpu.memory_space<vmem>>
    %dma_wait3A_177 = arith.constant 0 : i32
    %dma_wait3A_178 = tpu.memref_slice %arg2[%add3A_57, %dma_wait3A_177] : memref<16384x128xf32, #tpu.memory_space<hbm>> -> memref<128x128xf32, #tpu.memory_space<hbm>>
    %dma_wait3A_179 = arith.constant 0 : i32
    %dma_wait3A_180 = arith.constant 0 : i32
    %dma_wait3A_181 = tpu.memref_slice %arg7[%dma_wait3A_172, %dma_wait3A_179, %dma_wait3A_180] : memref<4x128x128xf32, #tpu.memory_space<vmem>> -> memref<1x128x128xf32, #tpu.memory_space<vmem>>
    %dma_wait3A_182 = tpu.memref_squeeze %dma_wait3A_181 : memref<1x128x128xf32, #tpu.memory_space<vmem>> -> memref<128x128xf32, #tpu.memory_space<vmem>>
    %dma_wait3A_183 = arith.constant 0 : i32
    %dma_wait3A_184 = tpu.memref_slice %arg2[%add3A_57, %dma_wait3A_183] : memref<16384x128xf32, #tpu.memory_space<hbm>> -> memref<128x128xf32, #tpu.memory_space<hbm>>
    tpu.wait_dma2 semaphore(%arg15 : memref<!tpu.dma_semaphore, #tpu.memory_space<semaphore_mem>>) src(%dma_wait3A_184 : memref<128x128xf32, #tpu.memory_space<hbm>>) dst(%dma_wait3A_182 : memref<128x128xf32, #tpu.memory_space<vmem>>)
    %dma_start3A_185 = arith.constant 3 : i32
    %dma_start3A_186 = arith.constant 3 : i32
    %dma_start3A_187 = arith.constant 0 : i32
    %dma_start3A_188 = arith.constant 0 : i32
    %dma_start3A_189 = tpu.memref_slice %arg7[%dma_start3A_185, %dma_start3A_187, %dma_start3A_188] : memref<4x128x128xf32, #tpu.memory_space<vmem>> -> memref<1x128x128xf32, #tpu.memory_space<vmem>>
    %dma_start3A_190 = tpu.memref_squeeze %dma_start3A_189 : memref<1x128x128xf32, #tpu.memory_space<vmem>> -> memref<128x128xf32, #tpu.memory_space<vmem>>
    %dma_start3A_191 = arith.constant 0 : i32
    %dma_start3A_192 = tpu.memref_slice %arg6[%dma_start3A_186, %dma_start3A_191] : memref<4x128xi32, #tpu.memory_space<vmem>> -> memref<1x128xi32, #tpu.memory_space<vmem>>
    %dma_start3A_193 = tpu.memref_squeeze %dma_start3A_192 : memref<1x128xi32, #tpu.memory_space<vmem>> -> memref<128xi32, #tpu.memory_space<vmem>>
    %dma_start3A_194 = arith.constant 0 : i32
    %dma_start3A_195 = arith.constant 0 : i32
    %dma_start3A_196 = tpu.memref_slice %arg11[%dma_start3A_194, %dma_start3A_195] : memref<1024x128xf32, #tpu.memory_space<vmem_shared>> -> memref<1024x128xf32, #tpu.memory_space<vmem_shared>>
    tpu.enqueue_indirect_dma source(%dma_start3A_190 : memref<128x128xf32, #tpu.memory_space<vmem>>) target(%dma_start3A_196 : memref<1024x128xf32, #tpu.memory_space<vmem_shared>>) offsets(%dma_start3A_193 : memref<128xi32, #tpu.memory_space<vmem>>) semaphore(%arg18 : memref<!tpu.dma_semaphore, #tpu.memory_space<semaphore_mem>>) {add = true}
    %dma_wait3A_197 = arith.constant 0 : i32
    %dma_wait3A_198 = arith.constant 0 : i32
    %dma_wait3A_199 = arith.constant 0 : i32
    %dma_wait3A_200 = arith.constant 0 : i32
    %dma_wait3A_201 = tpu.memref_slice %arg7[%dma_wait3A_197, %dma_wait3A_199, %dma_wait3A_200] : memref<4x128x128xf32, #tpu.memory_space<vmem>> -> memref<1x128x128xf32, #tpu.memory_space<vmem>>
    %dma_wait3A_202 = tpu.memref_squeeze %dma_wait3A_201 : memref<1x128x128xf32, #tpu.memory_space<vmem>> -> memref<128x128xf32, #tpu.memory_space<vmem>>
    %dma_wait3A_203 = arith.constant 0 : i32
    %dma_wait3A_204 = tpu.memref_slice %arg6[%dma_wait3A_198, %dma_wait3A_203] : memref<4x128xi32, #tpu.memory_space<vmem>> -> memref<1x128xi32, #tpu.memory_space<vmem>>
    %dma_wait3A_205 = tpu.memref_squeeze %dma_wait3A_204 : memref<1x128xi32, #tpu.memory_space<vmem>> -> memref<128xi32, #tpu.memory_space<vmem>>
    %dma_wait3A_206 = arith.constant 0 : i32
    %dma_wait3A_207 = arith.constant 0 : i32
    %dma_wait3A_208 = tpu.memref_slice %arg11[%dma_wait3A_206, %dma_wait3A_207] : memref<1024x128xf32, #tpu.memory_space<vmem_shared>> -> memref<1024x128xf32, #tpu.memory_space<vmem_shared>>
    tpu.wait_indirect_dma semaphore(%arg18 : memref<!tpu.dma_semaphore, #tpu.memory_space<semaphore_mem>>) src(%dma_wait3A_202 : memref<128x128xf32, #tpu.memory_space<vmem>>) dst(%dma_wait3A_208 : memref<1024x128xf32, #tpu.memory_space<vmem_shared>>)
    %dma_wait3A_209 = arith.constant 1 : i32
    %dma_wait3A_210 = arith.constant 1 : i32
    %dma_wait3A_211 = arith.constant 0 : i32
    %dma_wait3A_212 = arith.constant 0 : i32
    %dma_wait3A_213 = tpu.memref_slice %arg7[%dma_wait3A_209, %dma_wait3A_211, %dma_wait3A_212] : memref<4x128x128xf32, #tpu.memory_space<vmem>> -> memref<1x128x128xf32, #tpu.memory_space<vmem>>
    %dma_wait3A_214 = tpu.memref_squeeze %dma_wait3A_213 : memref<1x128x128xf32, #tpu.memory_space<vmem>> -> memref<128x128xf32, #tpu.memory_space<vmem>>
    %dma_wait3A_215 = arith.constant 0 : i32
    %dma_wait3A_216 = tpu.memref_slice %arg6[%dma_wait3A_210, %dma_wait3A_215] : memref<4x128xi32, #tpu.memory_space<vmem>> -> memref<1x128xi32, #tpu.memory_space<vmem>>
    %dma_wait3A_217 = tpu.memref_squeeze %dma_wait3A_216 : memref<1x128xi32, #tpu.memory_space<vmem>> -> memref<128xi32, #tpu.memory_space<vmem>>
    %dma_wait3A_218 = arith.constant 0 : i32
    %dma_wait3A_219 = arith.constant 0 : i32
    %dma_wait3A_220 = tpu.memref_slice %arg11[%dma_wait3A_218, %dma_wait3A_219] : memref<1024x128xf32, #tpu.memory_space<vmem_shared>> -> memref<1024x128xf32, #tpu.memory_space<vmem_shared>>
    tpu.wait_indirect_dma semaphore(%arg18 : memref<!tpu.dma_semaphore, #tpu.memory_space<semaphore_mem>>) src(%dma_wait3A_214 : memref<128x128xf32, #tpu.memory_space<vmem>>) dst(%dma_wait3A_220 : memref<1024x128xf32, #tpu.memory_space<vmem_shared>>)
    %dma_wait3A_221 = arith.constant 2 : i32
    %dma_wait3A_222 = arith.constant 2 : i32
    %dma_wait3A_223 = arith.constant 0 : i32
    %dma_wait3A_224 = arith.constant 0 : i32
    %dma_wait3A_225 = tpu.memref_slice %arg7[%dma_wait3A_221, %dma_wait3A_223, %dma_wait3A_224] : memref<4x128x128xf32, #tpu.memory_space<vmem>> -> memref<1x128x128xf32, #tpu.memory_space<vmem>>
    %dma_wait3A_226 = tpu.memref_squeeze %dma_wait3A_225 : memref<1x128x128xf32, #tpu.memory_space<vmem>> -> memref<128x128xf32, #tpu.memory_space<vmem>>
    %dma_wait3A_227 = arith.constant 0 : i32
    %dma_wait3A_228 = tpu.memref_slice %arg6[%dma_wait3A_222, %dma_wait3A_227] : memref<4x128xi32, #tpu.memory_space<vmem>> -> memref<1x128xi32, #tpu.memory_space<vmem>>
    %dma_wait3A_229 = tpu.memref_squeeze %dma_wait3A_228 : memref<1x128xi32, #tpu.memory_space<vmem>> -> memref<128xi32, #tpu.memory_space<vmem>>
    %dma_wait3A_230 = arith.constant 0 : i32
    %dma_wait3A_231 = arith.constant 0 : i32
    %dma_wait3A_232 = tpu.memref_slice %arg11[%dma_wait3A_230, %dma_wait3A_231] : memref<1024x128xf32, #tpu.memory_space<vmem_shared>> -> memref<1024x128xf32, #tpu.memory_space<vmem_shared>>
    tpu.wait_indirect_dma semaphore(%arg18 : memref<!tpu.dma_semaphore, #tpu.memory_space<semaphore_mem>>) src(%dma_wait3A_226 : memref<128x128xf32, #tpu.memory_space<vmem>>) dst(%dma_wait3A_232 : memref<1024x128xf32, #tpu.memory_space<vmem_shared>>)
    %dma_wait3A_233 = arith.constant 3 : i32
    %dma_wait3A_234 = arith.constant 3 : i32
    %dma_wait3A_235 = arith.constant 0 : i32
    %dma_wait3A_236 = arith.constant 0 : i32
    %dma_wait3A_237 = tpu.memref_slice %arg7[%dma_wait3A_233, %dma_wait3A_235, %dma_wait3A_236] : memref<4x128x128xf32, #tpu.memory_space<vmem>> -> memref<1x128x128xf32, #tpu.memory_space<vmem>>
    %dma_wait3A_238 = tpu.memref_squeeze %dma_wait3A_237 : memref<1x128x128xf32, #tpu.memory_space<vmem>> -> memref<128x128xf32, #tpu.memory_space<vmem>>
    %dma_wait3A_239 = arith.constant 0 : i32
    %dma_wait3A_240 = tpu.memref_slice %arg6[%dma_wait3A_234, %dma_wait3A_239] : memref<4x128xi32, #tpu.memory_space<vmem>> -> memref<1x128xi32, #tpu.memory_space<vmem>>
    %dma_wait3A_241 = tpu.memref_squeeze %dma_wait3A_240 : memref<1x128xi32, #tpu.memory_space<vmem>> -> memref<128xi32, #tpu.memory_space<vmem>>
    %dma_wait3A_242 = arith.constant 0 : i32
    %dma_wait3A_243 = arith.constant 0 : i32
    %dma_wait3A_244 = tpu.memref_slice %arg11[%dma_wait3A_242, %dma_wait3A_243] : memref<1024x128xf32, #tpu.memory_space<vmem_shared>> -> memref<1024x128xf32, #tpu.memory_space<vmem_shared>>
    tpu.wait_indirect_dma semaphore(%arg18 : memref<!tpu.dma_semaphore, #tpu.memory_space<semaphore_mem>>) src(%dma_wait3A_238 : memref<128x128xf32, #tpu.memory_space<vmem>>) dst(%dma_wait3A_244 : memref<1024x128xf32, #tpu.memory_space<vmem_shared>>)
    %barrier3A_245 = arith.constant 0 : index
    tpu.barrier barrier_id(%barrier3A_245)
    %mul3A_246 = arith.constant 64 : i32
    %mul3A_247 = arith.muli %arg1, %mul3A_246 : i32
    "tpu.region"() ({
      %run_scoped3A = tpu.sem_alloc : memref<!tpu.dma_semaphore, #tpu.memory_space<semaphore_mem>>
      %dma_start3A_290 = arith.constant 0 : i32
      %dma_start3A_291 = tpu.memref_slice %arg11[%mul3A_247, %dma_start3A_290] : memref<1024x128xf32, #tpu.memory_space<vmem_shared>> -> memref<64x128xf32, #tpu.memory_space<vmem_shared>>
      %dma_start3A_292 = arith.constant 0 : i32
      %dma_start3A_293 = tpu.memref_slice %arg11[%mul3A_247, %dma_start3A_292] : memref<1024x128xf32, #tpu.memory_space<vmem_shared>> -> memref<64x128xf32, #tpu.memory_space<vmem_shared>>
      tpu.enqueue_dma source(%dma_start3A_293 : memref<64x128xf32, #tpu.memory_space<vmem_shared>>) target(%arg8 : memref<64x128xf32, #tpu.memory_space<vmem>>) target_semaphore(%run_scoped3A : memref<!tpu.dma_semaphore, #tpu.memory_space<semaphore_mem>>)
      %dma_wait3A_294 = arith.constant 0 : i32
      %dma_wait3A_295 = tpu.memref_slice %arg11[%mul3A_247, %dma_wait3A_294] : memref<1024x128xf32, #tpu.memory_space<vmem_shared>> -> memref<64x128xf32, #tpu.memory_space<vmem_shared>>
      %dma_wait3A_296 = arith.constant 0 : i32
      %dma_wait3A_297 = tpu.memref_slice %arg11[%mul3A_247, %dma_wait3A_296] : memref<1024x128xf32, #tpu.memory_space<vmem_shared>> -> memref<64x128xf32, #tpu.memory_space<vmem_shared>>
      tpu.wait_dma2 semaphore(%run_scoped3A : memref<!tpu.dma_semaphore, #tpu.memory_space<semaphore_mem>>) src(%dma_wait3A_297 : memref<64x128xf32, #tpu.memory_space<vmem_shared>>) dst(%arg8 : memref<64x128xf32, #tpu.memory_space<vmem>>)
      tpu.yield
    }) : () -> ()
    %eq3A_248 = arith.constant 15 : i32
    %eq3A_249 = arith.cmpi eq, %arg1, %eq3A_248 : i32
    %convert_element_type3A_250 = arith.extui %eq3A_249 : i1 to i32
    %cond3A_251 = arith.constant 0 : i32
    %cond3A_252 = arith.cmpi ne, %convert_element_type3A_250, %cond3A_251 : i32
    scf.if %cond3A_252 {
      %dma_wait3A_290 = arith.constant 0 : i32
      %dma_wait3A_291 = arith.constant 0 : i32
      %dma_wait3A_292 = tpu.memref_slice %arg9[%dma_wait3A_290, %dma_wait3A_291] : memref<64x128xf32, #tpu.memory_space<vmem>> -> memref<40x128xf32, #tpu.memory_space<vmem>>
      %dma_wait3A_293 = arith.constant 960 : i32
      %dma_wait3A_294 = arith.constant 0 : i32
      %dma_wait3A_295 = tpu.memref_slice %arg3[%dma_wait3A_293, %dma_wait3A_294] : memref<1000x128xf32, #tpu.memory_space<hbm>> -> memref<40x128xf32, #tpu.memory_space<hbm>>
      %dma_wait3A_296 = arith.constant 0 : i32
      %dma_wait3A_297 = arith.constant 0 : i32
      %dma_wait3A_298 = tpu.memref_slice %arg9[%dma_wait3A_296, %dma_wait3A_297] : memref<64x128xf32, #tpu.memory_space<vmem>> -> memref<40x128xf32, #tpu.memory_space<vmem>>
      %dma_wait3A_299 = arith.constant 960 : i32
      %dma_wait3A_300 = arith.constant 0 : i32
      %dma_wait3A_301 = tpu.memref_slice %arg3[%dma_wait3A_299, %dma_wait3A_300] : memref<1000x128xf32, #tpu.memory_space<hbm>> -> memref<40x128xf32, #tpu.memory_space<hbm>>
      tpu.wait_dma2 semaphore(%arg17 : memref<!tpu.dma_semaphore, #tpu.memory_space<semaphore_mem>>) src(%dma_wait3A_301 : memref<40x128xf32, #tpu.memory_space<hbm>>) dst(%dma_wait3A_298 : memref<40x128xf32, #tpu.memory_space<vmem>>)
    } else {
    }
    %ne3A_253 = arith.constant 15 : i32
    %ne3A_254 = arith.cmpi ne, %arg1, %ne3A_253 : i32
    %convert_element_type3A_255 = arith.extui %ne3A_254 : i1 to i32
    %cond3A_256 = arith.constant 0 : i32
    %cond3A_257 = arith.cmpi ne, %convert_element_type3A_255, %cond3A_256 : i32
    scf.if %cond3A_257 {
      %mul3A_290 = arith.constant 64 : i32
      %mul3A_291 = arith.muli %arg1, %mul3A_290 : i32
      %dma_wait3A_292 = arith.constant 0 : i32
      %dma_wait3A_293 = tpu.memref_slice %arg3[%mul3A_291, %dma_wait3A_292] : memref<1000x128xf32, #tpu.memory_space<hbm>> -> memref<64x128xf32, #tpu.memory_space<hbm>>
      %dma_wait3A_294 = arith.constant 0 : i32
      %dma_wait3A_295 = tpu.memref_slice %arg3[%mul3A_291, %dma_wait3A_294] : memref<1000x128xf32, #tpu.memory_space<hbm>> -> memref<64x128xf32, #tpu.memory_space<hbm>>
      tpu.wait_dma2 semaphore(%arg17 : memref<!tpu.dma_semaphore, #tpu.memory_space<semaphore_mem>>) src(%dma_wait3A_295 : memref<64x128xf32, #tpu.memory_space<hbm>>) dst(%arg9 : memref<64x128xf32, #tpu.memory_space<vmem>>)
    } else {
    }
    %broadcast_in_dim3A_258 = arith.constant 0.000000e+00 : f32
    %broadcast_in_dim3A_259 = vector.broadcast %broadcast_in_dim3A_258 : f32 to vector<16xf32>
    %broadcast_in_dim3A_260 = arith.constant 0.000000e+00 : f32
    %broadcast_in_dim3A_261 = vector.broadcast %broadcast_in_dim3A_260 : f32 to vector<16xf32>
    %broadcast_in_dim3A_262 = arith.constant 0.000000e+00 : f32
    %broadcast_in_dim3A_263 = vector.broadcast %broadcast_in_dim3A_262 : f32 to vector<16xf32>
    %broadcast_in_dim3A_264 = arith.constant 0.000000e+00 : f32
    %broadcast_in_dim3A_265 = vector.broadcast %broadcast_in_dim3A_264 : f32 to vector<16xf32>
    %broadcast_in_dim3A_266 = arith.constant 0.000000e+00 : f32
    %broadcast_in_dim3A_267 = vector.broadcast %broadcast_in_dim3A_266 : f32 to vector<16xf32>
    %broadcast_in_dim3A_268 = arith.constant 0.000000e+00 : f32
    %broadcast_in_dim3A_269 = vector.broadcast %broadcast_in_dim3A_268 : f32 to vector<16xf32>
    %broadcast_in_dim3A_270 = arith.constant 0.000000e+00 : f32
    %broadcast_in_dim3A_271 = vector.broadcast %broadcast_in_dim3A_270 : f32 to vector<16xf32>
    %broadcast_in_dim3A_272 = arith.constant 0.000000e+00 : f32
    %broadcast_in_dim3A_273 = vector.broadcast %broadcast_in_dim3A_272 : f32 to vector<16xf32>
    %scan3A_274 = arith.constant 0 : i32
    %scan3A_275 = arith.constant 64 : i32
    %scan3A_276 = arith.addi %scan3A_274, %scan3A_275 : i32
    %scan3A_277 = arith.constant 1 : i32
    %scan3A_278:8 = scf.for %scan3A_290 = %scan3A_274 to %scan3A_276 step %scan3A_277 iter_args(%scan3A_291 = %broadcast_in_dim3A_259, %scan3A_292 = %broadcast_in_dim3A_261, %scan3A_293 = %broadcast_in_dim3A_263, %scan3A_294 = %broadcast_in_dim3A_265, %scan3A_295 = %broadcast_in_dim3A_267, %scan3A_296 = %broadcast_in_dim3A_269, %scan3A_297 = %broadcast_in_dim3A_271, %scan3A_298 = %broadcast_in_dim3A_273) -> (vector<16xf32>, vector<16xf32>, vector<16xf32>, vector<16xf32>, vector<16xf32>, vector<16xf32>, vector<16xf32>, vector<16xf32>)  : i32 {
      %get3A = arith.index_cast %scan3A_290 : i32 to index
      %get3A_299 = arith.constant 0 : index
      %get3A_300 = tpu.vector_load %arg8[%get3A, %get3A_299] {strides = array<i32>} : memref<64x128xf32, #tpu.memory_space<vmem>>, vector<1x16xf32>,
      %get3A_301 = vector.shape_cast %get3A_300 : vector<1x16xf32> to vector<16xf32>
      %get3A_302 = arith.index_cast %scan3A_290 : i32 to index
      %get3A_303 = arith.constant 0 : index
      %get3A_304 = tpu.vector_load %arg9[%get3A_302, %get3A_303] {strides = array<i32>} : memref<64x128xf32, #tpu.memory_space<vmem>>, vector<1x16xf32>,
      %get3A_305 = vector.shape_cast %get3A_304 : vector<1x16xf32> to vector<16xf32>
      %mul3A_306 = arith.mulf %get3A_301, %get3A_305 : vector<16xf32>
      %add3A_307 = arith.addf %scan3A_291, %mul3A_306 : vector<16xf32>
      %get3A_308 = arith.index_cast %scan3A_290 : i32 to index
      %get3A_309 = arith.constant 16 : index
      %get3A_310 = tpu.vector_load %arg8[%get3A_308, %get3A_309] {strides = array<i32>} : memref<64x128xf32, #tpu.memory_space<vmem>>, vector<1x16xf32>,
      %get3A_311 = vector.shape_cast %get3A_310 : vector<1x16xf32> to vector<16xf32>
      %get3A_312 = arith.index_cast %scan3A_290 : i32 to index
      %get3A_313 = arith.constant 16 : index
      %get3A_314 = tpu.vector_load %arg9[%get3A_312, %get3A_313] {strides = array<i32>} : memref<64x128xf32, #tpu.memory_space<vmem>>, vector<1x16xf32>,
      %get3A_315 = vector.shape_cast %get3A_314 : vector<1x16xf32> to vector<16xf32>
      %mul3A_316 = arith.mulf %get3A_311, %get3A_315 : vector<16xf32>
      %add3A_317 = arith.addf %scan3A_292, %mul3A_316 : vector<16xf32>
      %get3A_318 = arith.index_cast %scan3A_290 : i32 to index
      %get3A_319 = arith.constant 32 : index
      %get3A_320 = tpu.vector_load %arg8[%get3A_318, %get3A_319] {strides = array<i32>} : memref<64x128xf32, #tpu.memory_space<vmem>>, vector<1x16xf32>,
      %get3A_321 = vector.shape_cast %get3A_320 : vector<1x16xf32> to vector<16xf32>
      %get3A_322 = arith.index_cast %scan3A_290 : i32 to index
      %get3A_323 = arith.constant 32 : index
      %get3A_324 = tpu.vector_load %arg9[%get3A_322, %get3A_323] {strides = array<i32>} : memref<64x128xf32, #tpu.memory_space<vmem>>, vector<1x16xf32>,
      %get3A_325 = vector.shape_cast %get3A_324 : vector<1x16xf32> to vector<16xf32>
      %mul3A_326 = arith.mulf %get3A_321, %get3A_325 : vector<16xf32>
      %add3A_327 = arith.addf %scan3A_293, %mul3A_326 : vector<16xf32>
      %get3A_328 = arith.index_cast %scan3A_290 : i32 to index
      %get3A_329 = arith.constant 48 : index
      %get3A_330 = tpu.vector_load %arg8[%get3A_328, %get3A_329] {strides = array<i32>} : memref<64x128xf32, #tpu.memory_space<vmem>>, vector<1x16xf32>,
      %get3A_331 = vector.shape_cast %get3A_330 : vector<1x16xf32> to vector<16xf32>
      %get3A_332 = arith.index_cast %scan3A_290 : i32 to index
      %get3A_333 = arith.constant 48 : index
      %get3A_334 = tpu.vector_load %arg9[%get3A_332, %get3A_333] {strides = array<i32>} : memref<64x128xf32, #tpu.memory_space<vmem>>, vector<1x16xf32>,
      %get3A_335 = vector.shape_cast %get3A_334 : vector<1x16xf32> to vector<16xf32>
      %mul3A_336 = arith.mulf %get3A_331, %get3A_335 : vector<16xf32>
      %add3A_337 = arith.addf %scan3A_294, %mul3A_336 : vector<16xf32>
      %get3A_338 = arith.index_cast %scan3A_290 : i32 to index
      %get3A_339 = arith.constant 64 : index
      %get3A_340 = tpu.vector_load %arg8[%get3A_338, %get3A_339] {strides = array<i32>} : memref<64x128xf32, #tpu.memory_space<vmem>>, vector<1x16xf32>,
      %get3A_341 = vector.shape_cast %get3A_340 : vector<1x16xf32> to vector<16xf32>
      %get3A_342 = arith.index_cast %scan3A_290 : i32 to index
      %get3A_343 = arith.constant 64 : index
      %get3A_344 = tpu.vector_load %arg9[%get3A_342, %get3A_343] {strides = array<i32>} : memref<64x128xf32, #tpu.memory_space<vmem>>, vector<1x16xf32>,
      %get3A_345 = vector.shape_cast %get3A_344 : vector<1x16xf32> to vector<16xf32>
      %mul3A_346 = arith.mulf %get3A_341, %get3A_345 : vector<16xf32>
      %add3A_347 = arith.addf %scan3A_295, %mul3A_346 : vector<16xf32>
      %get3A_348 = arith.index_cast %scan3A_290 : i32 to index
      %get3A_349 = arith.constant 80 : index
      %get3A_350 = tpu.vector_load %arg8[%get3A_348, %get3A_349] {strides = array<i32>} : memref<64x128xf32, #tpu.memory_space<vmem>>, vector<1x16xf32>,
      %get3A_351 = vector.shape_cast %get3A_350 : vector<1x16xf32> to vector<16xf32>
      %get3A_352 = arith.index_cast %scan3A_290 : i32 to index
      %get3A_353 = arith.constant 80 : index
      %get3A_354 = tpu.vector_load %arg9[%get3A_352, %get3A_353] {strides = array<i32>} : memref<64x128xf32, #tpu.memory_space<vmem>>, vector<1x16xf32>,
      %get3A_355 = vector.shape_cast %get3A_354 : vector<1x16xf32> to vector<16xf32>
      %mul3A_356 = arith.mulf %get3A_351, %get3A_355 : vector<16xf32>
      %add3A_357 = arith.addf %scan3A_296, %mul3A_356 : vector<16xf32>
      %get3A_358 = arith.index_cast %scan3A_290 : i32 to index
      %get3A_359 = arith.constant 96 : index
      %get3A_360 = tpu.vector_load %arg8[%get3A_358, %get3A_359] {strides = array<i32>} : memref<64x128xf32, #tpu.memory_space<vmem>>, vector<1x16xf32>,
      %get3A_361 = vector.shape_cast %get3A_360 : vector<1x16xf32> to vector<16xf32>
      %get3A_362 = arith.index_cast %scan3A_290 : i32 to index
      %get3A_363 = arith.constant 96 : index
      %get3A_364 = tpu.vector_load %arg9[%get3A_362, %get3A_363] {strides = array<i32>} : memref<64x128xf32, #tpu.memory_space<vmem>>, vector<1x16xf32>,
      %get3A_365 = vector.shape_cast %get3A_364 : vector<1x16xf32> to vector<16xf32>
      %mul3A_366 = arith.mulf %get3A_361, %get3A_365 : vector<16xf32>
      %add3A_367 = arith.addf %scan3A_297, %mul3A_366 : vector<16xf32>
      %get3A_368 = arith.index_cast %scan3A_290 : i32 to index
      %get3A_369 = arith.constant 112 : index
      %get3A_370 = tpu.vector_load %arg8[%get3A_368, %get3A_369] {strides = array<i32>} : memref<64x128xf32, #tpu.memory_space<vmem>>, vector<1x16xf32>,
      %get3A_371 = vector.shape_cast %get3A_370 : vector<1x16xf32> to vector<16xf32>
      %get3A_372 = arith.index_cast %scan3A_290 : i32 to index
      %get3A_373 = arith.constant 112 : index
      %get3A_374 = tpu.vector_load %arg9[%get3A_372, %get3A_373] {strides = array<i32>} : memref<64x128xf32, #tpu.memory_space<vmem>>, vector<1x16xf32>,
      %get3A_375 = vector.shape_cast %get3A_374 : vector<1x16xf32> to vector<16xf32>
      %mul3A_376 = arith.mulf %get3A_371, %get3A_375 : vector<16xf32>
      %add3A_377 = arith.addf %scan3A_298, %mul3A_376 : vector<16xf32>
      scf.yield %add3A_307, %add3A_317, %add3A_327, %add3A_337, %add3A_347, %add3A_357, %add3A_367, %add3A_377 : vector<16xf32>, vector<16xf32>, vector<16xf32>, vector<16xf32>, vector<16xf32>, vector<16xf32>, vector<16xf32>, vector<16xf32>
    }
    %scan3A_279 = arith.constant 64 : i32
    %add3A_280 = arith.addf %scan3A_278#0, %scan3A_278#1 : vector<16xf32>
    %add3A_281 = arith.addf %add3A_280, %scan3A_278#2 : vector<16xf32>
    %add3A_282 = arith.addf %add3A_281, %scan3A_278#3 : vector<16xf32>
    %add3A_283 = arith.addf %add3A_282, %scan3A_278#4 : vector<16xf32>
    %add3A_284 = arith.addf %add3A_283, %scan3A_278#5 : vector<16xf32>
    %add3A_285 = arith.addf %add3A_284, %scan3A_278#6 : vector<16xf32>
    %add3A_286 = arith.addf %add3A_285, %scan3A_278#7 : vector<16xf32>
    %swap3A = arith.constant 0 : index
    %swap3A_287 = tpu.vector_load %arg10[%swap3A] {strides = array<i32>} : memref<16xf32, #tpu.memory_space<vmem>>, vector<16xf32>,
    %swap3A_288 = vector.shape_cast %swap3A_287 : vector<16xf32> to vector<16xf32>
    %swap3A_289 = vector.shape_cast %add3A_286 : vector<16xf32> to vector<16xf32>
    tpu.vector_store %arg10[%swap3A], %swap3A_289 {strides = array<i32>} : memref<16xf32, #tpu.memory_space<vmem>>, vector<16xf32>,
    "tpu.region"() ({
      %run_scoped3A = tpu.sem_alloc : memref<!tpu.dma_semaphore, #tpu.memory_space<semaphore_mem>>
      %dma_start3A_290 = arith.constant 0 : i32
      %dma_start3A_291 = tpu.memref_slice %arg5[%add3A, %dma_start3A_290] : memref<32x16xf32, #tpu.memory_space<hbm>> -> memref<1x16xf32, #tpu.memory_space<hbm>>
      %dma_start3A_292 = tpu.memref_squeeze %dma_start3A_291 : memref<1x16xf32, #tpu.memory_space<hbm>> -> memref<16xf32, #tpu.memory_space<hbm>>
      %dma_start3A_293 = arith.constant 0 : i32
      %dma_start3A_294 = tpu.memref_slice %arg5[%add3A, %dma_start3A_293] : memref<32x16xf32, #tpu.memory_space<hbm>> -> memref<1x16xf32, #tpu.memory_space<hbm>>
      %dma_start3A_295 = tpu.memref_squeeze %dma_start3A_294 : memref<1x16xf32, #tpu.memory_space<hbm>> -> memref<16xf32, #tpu.memory_space<hbm>>
      tpu.enqueue_dma source(%arg10 : memref<16xf32, #tpu.memory_space<vmem>>) target(%dma_start3A_295 : memref<16xf32, #tpu.memory_space<hbm>>) target_semaphore(%run_scoped3A : memref<!tpu.dma_semaphore, #tpu.memory_space<semaphore_mem>>)
      %dma_wait3A_296 = arith.constant 0 : i32
      %dma_wait3A_297 = tpu.memref_slice %arg5[%add3A, %dma_wait3A_296] : memref<32x16xf32, #tpu.memory_space<hbm>> -> memref<1x16xf32, #tpu.memory_space<hbm>>
      %dma_wait3A_298 = tpu.memref_squeeze %dma_wait3A_297 : memref<1x16xf32, #tpu.memory_space<hbm>> -> memref<16xf32, #tpu.memory_space<hbm>>
      %dma_wait3A_299 = arith.constant 0 : i32
      %dma_wait3A_300 = tpu.memref_slice %arg5[%add3A, %dma_wait3A_299] : memref<32x16xf32, #tpu.memory_space<hbm>> -> memref<1x16xf32, #tpu.memory_space<hbm>>
      %dma_wait3A_301 = tpu.memref_squeeze %dma_wait3A_300 : memref<1x16xf32, #tpu.memory_space<hbm>> -> memref<16xf32, #tpu.memory_space<hbm>>
      tpu.wait_dma2 semaphore(%run_scoped3A : memref<!tpu.dma_semaphore, #tpu.memory_space<semaphore_mem>>) src(%arg10 : memref<16xf32, #tpu.memory_space<vmem>>) dst(%dma_wait3A_301 : memref<16xf32, #tpu.memory_space<hbm>>)
      tpu.yield
    }) : () -> ()
    return
  }
}

</mosaic_0001>

<sc_bundles>
// kernel: kernel.3.cloned.1.call-start
scs
__scs_entry_jumppad:
0x0: {  	(pc) =	sbr.rel $0x88, $3  }
0x1: {  	(tag) =	ssettag $0x0;
	lr =	simm.s32 $0x1  }
0x2: {  	[smem:$0x3F9E] =	sst lr;
	_ =	strace $0xD0000000  }
0x3: {  	_ = 	snop  }
0x4: {  	_ = 	snop  }
0x5: {  	_ = 	snop  }
0x6: {  	_ = 	snop  }
0x7: {  	_ = 	snop  }
__scs_overlays_trampoline_lowered:
0x8: {  	[smem:$0x3FAD] =	sst s0  }
0x9: {  	[smem:$0x3FAE] =	sst s1  }
0xa: {  	[smem:$0x3FAF] =	sst s2  }
0xb: {  	[smem:$0x3FB0] =	sst s3  }
0xc: {  	[smem:$0x3FB1] =	sst s4  }
0xd: {  	[smem:$0x3FB2] =	sst s5  }
0xe: {  	[smem:$0x3FB3] =	sst s6  }
0xf: {  	[smem:$0x3FB4] =	sst s7  }
0x10: {  	[smem:$0x3FB5] =	sst s8  }
0x11: {  	[smem:$0x3FB6] =	sst s9;
	s0 =	simm.s32 @!p0 $0x0  }
0x12: {  	s1 =	sld [smem:$0x3F9C];
	s0 =	simm.s32 @p0 $0x1  }
0x13: {  	[smem:$0x3FB7] =	sst s0;
	s0 =	simm.s32 @!p1 $0x0  }
0x14: {  	s2 =	sld [smem:$0x3F9B];
	s0 =	simm.s32 @p1 $0x1  }
0x15: {  	[smem:$0x3FB8] =	sst s0;
	s0 =	simm.s32 @!p2 $0x0  }
0x16: {  	s3 =	sld [smem:$0x3FDB];
	s0 =	simm.s32 @p2 $0x1  }
0x17: {  	s4 =	simm.s32 $0x1BF5;
	[smem:$0x3FBA] =	sst s0  }
0x18: {  	s0 =	sld [smem:$0x3F9D];
	_ =	swait.ge [sflag:s4], $0x0  }
0x19: {  	s7 =	sld [smem:$0x3F9E]  }
0x1a: {  	s8 =	sadd.s32 $0xFFFFE003, lr  }
0x1b: {  	s9 =	sadd.s32 $0xFFFFFEF7, lr;
	s5 =	simm.s32 $0xFFFFFFFF;
	p2 =	slt.u32 s8, $0xFFFFF086  }
0x1c: {  	p1 =	slt.u32 s9, $0xF7A;
	s5 =	simm.s32 @!p2 $0x0  }
0x1d: {  	s5 =	simm.s32 @p1 $0x1;
	p0 =	seq.s32 s7, s2  }
0x1e: {  	s7 =	smul.u32 @!p0 $0xF7A, s2;
	p2 =	seq.s32 @!p0 s5, $0x0  }
0x1f: {  	s9 =	smul.u32 $0xF7A, s1;
	s8 =	simm.s32 @!p0 $0x1BF5;
	p2 =	por !p2, p0  }
0x20: {  	[sflag:s8] =	ssyncset.s32 @!p0 $0xFFFFF086;
	s6 =	sadd.s32 @!p0 s3, s7;
	s7 =	simm.s32 @!p0 $0x108  }
0x21: {  	s3 =	sadd.s32 s3, s9;
	s6 =	sadd.s32 @!p0 $0x88, s6;
	s7 =	simm.s32 @p2 $0x1082  }
0x22: {  	[simem:s7], [sflag:s8] =	dma.local @!p0 [hbm:s6], $0xF7A  }
0x23: {  	s9 =	sor.u32 $0xD0000000, s2;
	s6 =	simm.s32 $0x108;
	_ =	swait.ge @!p0 [sflag:s8], $0x0  }
0x24: {  	s3 =	sadd.s32 $0x88, s3;
	s6 =	simm.s32 @!p1 $0x1082;
	[sflag:s4] =	ssyncset.s32 $0xFFFFF086  }
0x25: {  	[simem:s6], [sflag:s4] =	dma.local [hbm:s3], $0xF7A  }
0x26: {  	[smem:$0x3F9E] =	sst s1;
	(tag) =	ssettag s2;
	_ =	strace s9  }
0x27: {  	s1 =	sld [smem:$0x3FAE]  }
0x28: {  	s2 =	sld [smem:$0x3FAF]  }
0x29: {  	s4 =	sld [smem:$0x3FB1]  }
0x2a: {  	p0 =	seq.s32 s5, $0x0;
	s5 =	sld [smem:$0x3FB2]  }
0x2b: {  	s6 =	sld [smem:$0x3FB3]  }
0x2c: {  	s7 =	sld [smem:$0x3FB4]  }
0x2d: {  	s3 =	simm.s32 $0x108;
	s8 =	sld [smem:$0x3FB5]  }
0x2e: {  	s3 =	simm.s32 @!p0 $0x1082;
	s9 =	sld [smem:$0x3FB6]  }
0x2f: {  	lr =	sadd.s32 s0, s3;
	s0 =	sld [smem:$0x3FAD]  }
0x30: {  	s3 =	sld [smem:$0x3FB0]  }
0x31: {  	[smem:$0x3FB9] =	sst s10  }
0x32: {  	s10 =	sld [smem:$0x3FB7];
	_ =	sdelay $0x3  }
0x33: {  	p0 =	seq.s32 s10, $0x1;
	s10 =	sld [smem:$0x3FB9];
	_ =	sdelay $0x3  }
0x34: {  	[smem:$0x3FB9] =	sst s10  }
0x35: {  	s10 =	sld [smem:$0x3FB8];
	_ =	sdelay $0x3  }
0x36: {  	p1 =	seq.s32 s10, $0x1;
	s10 =	sld [smem:$0x3FB9];
	_ =	sdelay $0x3  }
0x37: {  	[smem:$0x3FB9] =	sst s10  }
0x38: {  	s10 =	sld [smem:$0x3FBA]  }
0x39: {  	_ = 	snop;
	(pc) =	sbr.ind lr, $3  }
0x3a: {  	_ = 	snop  }
0x3b: {  	_ = 	snop  }
0x3c: {  	p2 =	seq.s32 s10, $0x1;
	s10 =	sld [smem:$0x3FB9]  }
0x3d: {  	_ =	shalt  }
0x3e: {  	_ =	shalt  }
0x3f: {  	_ =	shalt  }
0x40: {  	_ =	shalt  }
0x41: {  	_ =	shalt  }
0x42: {  	_ =	shalt  }
0x43: {  	_ =	shalt  }
0x44: {  	_ =	shalt  }
0x45: {  	_ =	shalt  }
0x46: {  	_ =	shalt  }
0x47: {  	_ =	shalt  }
0x48: {  	_ =	shalt  }
0x49: {  	_ =	shalt  }
0x4a: {  	_ =	shalt  }
0x4b: {  	_ =	shalt  }
0x4c: {  	_ =	shalt  }
0x4d: {  	_ =	shalt  }
0x4e: {  	_ =	shalt  }
0x4f: {  	_ =	shalt  }
0x50: {  	_ =	shalt  }
0x51: {  	_ =	shalt  }
0x52: {  	_ =	shalt  }
0x53: {  	_ =	shalt  }
0x54: {  	_ =	shalt  }
0x55: {  	_ =	shalt  }
0x56: {  	_ =	shalt  }
0x57: {  	_ =	shalt  }
0x58: {  	_ =	shalt  }
0x59: {  	_ =	shalt  }
0x5a: {  	_ =	shalt  }
0x5b: {  	_ =	shalt  }
0x5c: {  	_ =	shalt  }
0x5d: {  	_ =	shalt  }
0x5e: {  	_ =	shalt  }
0x5f: {  	_ =	shalt  }
0x60: {  	_ =	shalt  }
0x61: {  	_ =	shalt  }
0x62: {  	_ =	shalt  }
0x63: {  	_ =	shalt  }
0x64: {  	_ =	shalt  }
0x65: {  	_ =	shalt  }
0x66: {  	_ =	shalt  }
0x67: {  	_ =	shalt  }
0x68: {  	_ =	shalt  }
0x69: {  	_ =	shalt  }
0x6a: {  	_ =	shalt  }
0x6b: {  	_ =	shalt  }
0x6c: {  	_ =	shalt  }
0x6d: {  	_ =	shalt  }
0x6e: {  	_ =	shalt  }
0x6f: {  	_ =	shalt  }
0x70: {  	_ =	shalt  }
0x71: {  	_ =	shalt  }
0x72: {  	_ =	shalt  }
0x73: {  	_ =	shalt  }
0x74: {  	_ =	shalt  }
0x75: {  	_ =	shalt  }
0x76: {  	_ =	shalt  }
0x77: {  	_ =	shalt  }
0x78: {  	_ =	shalt  }
0x79: {  	_ =	shalt  }
0x7a: {  	_ =	shalt  }
0x7b: {  	_ =	shalt  }
0x7c: {  	_ =	shalt  }
0x7d: {  	_ =	shalt  }
0x7e: {  	_ =	shalt  }
0x7f: {  	_ =	shalt  }
0x80: {  	_ =	shalt  }
0x81: {  	_ =	shalt  }
0x82: {  	_ =	shalt  }
0x83: {  	_ =	shalt  }
0x84: {  	_ =	shalt  }
0x85: {  	_ =	shalt  }
0x86: {  	_ =	shalt  }
0x87: {  	_ =	shalt  }
.Lfunc_end0:
.L_simem_size_0:
called_computation_lowered:
.L_overlay_start_0:
0x88: {  	s2 =	sld [smem:$0x3FD9]  }
0x89: {  	s3 =	sld [smem:$0x3FFE];
	_ =	sdelay $0x1  }
0x8a: {  	s1 =	srdreg.scid  }
0x8b: {  	s0 =	sand.u32 $0x1, s1  }
0x8c: {  	s17 =	sshll.u32 s0, $0xA;
	s2 =	sadd.s32 s3, s2  }
0x8d: {  	s2 =	sadd.s32 s2, s17  }
0x8e: {  	[smem:$0x3FC5] =	sst s2  }
0x8f: {  	_ = 	snop  }
0x90: {  	s2 =	sld [smem:$0x3FC9]  }
0x91: {  	s18 =	sld [smem:$0x3FC8]  }
0x92: {  	s4 =	sld [smem:$0x3FC7];
	(tm) =	ssettm $0x1  }
0x93: {  	s5 =	sld [smem:$0x3FFB];
	_ =	sdelay $0x3  }
0x94: {  	_ =	strace s5  }
0x95: {  	s5 =	sld [smem:$0x3FFC];
	_ =	sdelay $0x3  }
0x96: {  	_ =	strace s5  }
0x97: {  	s5 =	sld [smem:$0x3FFD];
	_ =	sdelay $0x3  }
0x98: {  	_ =	strace s5  }
0x99: {  	_ =	strace $0x8FFFFFFF  }
0x9a: {  	s19 =	sld [smem:$0x3FDB];
	_ =	sdelay $0x1  }
0x9b: {  	s6 =	simm.s32 $_scs_section_size  }
0x9c: {  	s7 =	simm.s32 $_size__tile_overlayer_lowered;
	s8 =	simm.s32 $_tile_overlayer_lowered  }
0x9d: {  	s22 =	simm.s32 $0x1BFF;
	s21 =	sshll.u32 s8, $0x1;
	s5 =	sadd.s32 s6, s19  }
0x9e: {  	s9 =	simm.s32 $0x0;
	s20 =	sshll.u32 s7, $0x1;
	s7 =	sadd.s32 s21, s5  }
0x9f: {  	[timem:s9], [sflag:s22] =	dma.local [hbm:s7], s20  }
0xa0: {  	_ =	swait.ge [sflag:s22], s20  }
0xa1: {  	s6 =	ssub.s32 $0x0, s20;
	[sflag:s22] =	ssyncset.done $0x0  }
0xa2: {  	[sflag:s22] =	ssyncadd.s32 s6;
	_ =	sdelay $0x1  }
0xa3: {  	s23 =	simm.s32 $0x1B8B  }
0xa4: {  	_ =	swait.ge [sflag:s23], $0x1  }
0xa5: {  	[sflag:s23] =	ssyncset.done $0x0  }
0xa6: {  	s25 =	simm.s32 $0x1B8E;
	s24 =	sld [smem:$0x3FFE];
	[sflag:s23] =	ssyncadd.s32 $0xFFFFFFFF  }
0xa7: {  	s26 =	simm.s32 $execute0_lowered;
	[smem:$0x3FD2] =	sst s25  }
0xa8: {  	s7 =	sshll.u32 s26, $0x1;
	_ =	strace $0x80000046;
	[dreg:$0x1] =	wrdreg $0xFFFFFFFF  }
0xa9: {  	s28 =	simm.s32 $_size_execute0_lowered;
	s5 =	sadd.s32 s5, s7;
	[dreg:$0x0] =	wrdreg $0x0  }
0xaa: {  	s7 =	sshll.u32 s28, $0x1;
	[dreg:$0x2] =	wrdreg s5  }
0xab: {  	[dreg:$0x3] =	wrdreg s7  }
0xac: {  	[dreg:$0x4] =	wrdreg $0xC0  }
0xad: {  	_ =	task [dreg:s9], $0x5FFFF  }
0xae: {  	[dreg:$0x1] =	wrdreg $0xFFFFFFFF  }
0xaf: {  	[dreg:$0x0] =	wrdreg $0x60  }
0xb0: {  	[dreg:$0x2] =	wrdreg s2  }
0xb1: {  	[dreg:$0x3] =	wrdreg s18  }
0xb2: {  	[dreg:$0x4] =	wrdreg s4  }
0xb3: {  	[dreg:$0x5] =	wrdreg s24  }
0xb4: {  	[dreg:$0x6] =	wrdreg $0x142800  }
0xb5: {  	[dreg:$0x7] =	wrdreg $0x9  }
0xb6: {  	_ =	task.clear_ibuf [dreg:s9], $0x8FFFF;
	_ =	strace $0x90000046  }
0xb7: {  	s29 =	simm.s32 $0x9;
	_ =	strace $0x80000048  }
0xb8: {  	_ =	swait.ge [sflag:s29], $0x1  }
0xb9: {  	[sflag:s29] =	ssyncadd.s32 $0xFFFFFFFF  }
0xba: {  	_ =	strace $0x90000048  }
0xbb: {  	_ =	sfence  }
0xbc: {  	s30 =	sld [smem:$0x0];
	_ =	sdelay $0x2  }
0xbd: {  	s31 =	sshll.u32 s1, $0xD;
	s1 =	sshrl.u32 s1, $0x2  }
0xbe: {  	s3 =	sand.u32 $0x4000, s31;
	s1 =	sadd.s32 s1, s30  }
0xbf: {  	s0 =	sor.u32 s3, s0;
	s1 =	sshll.u32 s1, $0x11  }
0xc0: {  	s0 =	sor.u32 s1, s0  }
0xc1: {  	s0 =	sadd.s32 $0x8F2B, s0  }
0xc2: {  	[sflag:s0] =	ssyncadd.remote.s32 $0x1  }
0xc3: {  	_ =	sfence.sel $0xFFFF  }
0xc4: {  	[dreg:$0x0] =	wrdreg $0xFFFFFFFF;
	(pc) =	sbr.abs _section_cstart, $3  }
0xc5: {  	[dreg:$0x1] =	wrdreg $0xFFFFFFFF  }
0xc6: {  	_ =	task.clear_ibuf [dreg:s9], $0x2FFFF;
	_ =	strace $0x9FFFFFFF  }
0xc7: {  	(tm) =	ssettm $0x7FFFFFFF  }
tec
execute0_lowered:
.L_overlay_start_1:
0x0: {  	(tag) =	ssettag $0x1  }
0x1: {  	s0 =	rddreg [dreg:$0x0]  }
0x2: {  	s1 =	rddreg [dreg:$0x1]  }
0x3: {  	s5 =	rddreg [dreg:$0x2]  }
0x4: {  	s12 =	rddreg [dreg:$0x3]  }
0x5: {  	s2 =	rddreg [dreg:$0x4]  }
0x6: {  	s4 =	srdreg.scid;
	s14 =	stileid.u32  }
0x7: {  	s3 =	simm.s32 $0x0;
	s15 =	simm.s32 $0x4200;
	s16 =	simm.s32 $0x8200  }
0x8: {  	s17 =	simm.s32 $0xC200;
	s18 =	simm.s32 $0x10200;
	s19 =	simm.s32 $0x8  }
0x9: {  	s20 =	simm.s32 $0x5;
	s21 =	simm.s32 $0x1;
	s28 =	simm.s32 $0x180  }
0xa: {  	s29 =	simm.s32 $0x7;
	s30 =	simm.s32 $0x14200;
	s31 =	simm.s32 $0x0  }
0xb: {  	s4 =	sand.u32 $0x1, s4;
	s6 =	sshll.u32 s14, $0x1;
	[smem:$0x7FF] =	sst s3  }
0xc: {  	s24 =	sshll.u32 s14, $0xA;
	s10 =	sadd.s32 $0x3C00, s1;
	s25 =	sshll.u32 s14, $0xD  }
0xd: {  	p0 =	sne.s32 s14, $0xF;
	s14 =	simm.s32 $0x200;
	s7 =	ssub.s32 $0x2, s4  }
0xe: {  	s11 =	sor.u32 s4, s6;
	_ =	strace $0x80000047;
	s9 =	sadd.s32 s1, s24  }
0xf: {  	s24 =	simm.s32 $0x3;
	s22 =	sshrl.u32 s7, $0x1;
	s6 =	sshll.u32 s11, $0xD  }
0x10: {  	s23 =	sshll.u32 s11, $0x6;
	s26 =	sshll.u32 s11, $0x4;
	s11 =	sadd.s32 s25, s2  }
0x11: {  	s25 =	simm.s32 $0x100;
	s13 =	ssub.s32 s7, s22;
	s4 =	sadd.s32 s0, s6  }
0x12: {  	s5 =	sadd.s32 s5, s23;
	s12 =	sadd.s32 s12, s26;
	s22 =	simm.s32 $0x80  }
0x13: {  	s23 =	simm.s32 $0x2;
	s26 =	simm.s32 $0x4;
	s6 =	sadd.s32 $0x800, s4  }
0x14: {  	v0 =	vimm.f32 $0.0e+00;
	s7 =	sadd.s32 $0x1000, s4;
	s8 =	sadd.s32 $0x1800, s4;
	s13 =	smax.u32 s13, $0x1  }
.LBB2_1:
0x15: {  	[tilespmem:s3], [sflag:$0x5] =	stream.linear.gather [hbm4b:s5+s3], $0x200, $0x38;
	[tilespmem:$0x16280] =	vst v63  }
0x16: {  	_ = 	snop  }
0x17: {  	[tilespmem:s14], [sflag:$0x1] =	stream.linear.gather [hbm4b:s4+s3], $0x4000, $0x38;
	[tilespmem:$0x16280] =	vst v63  }
0x18: {  	_ = 	snop  }
0x19: {  	[tilespmem:s15], [sflag:$0x2] =	stream.linear.gather [hbm4b:s6+s3], $0x4000, $0x38;
	[tilespmem:$0x16280] =	vst v63  }
0x1a: {  	_ = 	snop  }
0x1b: {  	[tilespmem:s16], [sflag:$0x3] =	stream.linear.gather [hbm4b:s7+s3], $0x4000, $0x38;
	[tilespmem:$0x16280] =	vst v63  }
0x1c: {  	_ = 	snop  }
0x1d: {  	[tilespmem:s17], [sflag:$0x4] =	stream.linear.gather [hbm4b:s8+s3], $0x4000, $0x38;
	[tilespmem:$0x16280] =	vst v63  }
0x1e: {  	s0 =	simm.s32 @p0 $0x0;
	s1 =	simm.s32 @p0 $0x12200  }
0x1f: {  	[tilespmem:s1], [sflag:$0x6] =	stream.linear.gather @p0 [hbm4b:s9+s0], $0x2000, $0x38;
	[tilespmem:$0x16280] =	vst v63  }
0x20: {  	s0 =	simm.s32 @!p0 $0x0;
	s1 =	simm.s32 @!p0 $0x12200  }
0x21: {  	[tilespmem:s1], [sflag:$0x6] =	stream.linear.gather @!p0 [hbm4b:s10+s0], $0x1400, $0x38;
	[tilespmem:$0x16280] =	vst v63  }
0x22: {  	s0 =	simm.s32 $0x0;
	s1 =	simm.s32 $0x200  }
.LBB2_2:
0x23: {  	p1 =	sne.s32 s1, $0x7E00;
	[tilespmem:s0+$0x10270] =	vst v0  }
0x24: {  	[tilespmem:s0+$0x10200] =	vst v0  }
0x25: {  	[tilespmem:s0+$0x10210] =	vst v0  }
.Ltmp0:
0x26: {  	[tilespmem:s0+$0x10220] =	vst v0;
	(pc) =	sbr.rel @p1 .LBB2_2-.Ltmp0, $4  }
0x27: {  	[tilespmem:s0+$0x10230] =	vst v0  }
0x28: {  	[tilespmem:s0+$0x10240] =	vst v0  }
0x29: {  	[tilespmem:s0+$0x10250] =	vst v0  }
0x2a: {  	[tilespmem:s0+$0x10260] =	vst v0;
	s0 =	sshra.s32 s1, $0x2;
	s1 =	sadd.s32 $0x200, s1  }
0x2b: {  	[tilespmem:s0+$0x10270] =	vst v0  }
0x2c: {  	[tilespmem:s0+$0x10200] =	vst v0  }
0x2d: {  	[tilespmem:s0+$0x10210] =	vst v0  }
.Ltmp1:
0x2e: {  	[tilespmem:s0+$0x10220] =	vst v0;
	(pc) =	sbr.rel @p0 .LBB2_7-.Ltmp1, $4  }
0x2f: {  	[tilespmem:s0+$0x10230] =	vst v0  }
0x30: {  	[tilespmem:s0+$0x10240] =	vst v0  }
0x31: {  	[tilespmem:s0+$0x10250] =	vst v0  }
0x32: {  	[tilespmem:s0+$0x10260] =	vst v0;
	s1 =	simm.s32 $0x0  }
0x33: {  	s0 =	sshra.s32 s1, $0x2;
	s1 =	sadd.s32 $0x200, s1  }
.LBB2_5:
0x34: {  	p1 =	sne.s32 s1, $0x2E00;
	[tilespmem:s0+$0x13670] =	vst v0  }
0x35: {  	[tilespmem:s0+$0x13600] =	vst v0  }
0x36: {  	[tilespmem:s0+$0x13610] =	vst v0  }
.Ltmp2:
0x37: {  	[tilespmem:s0+$0x13620] =	vst v0;
	(pc) =	sbr.rel @p1 .LBB2_5-.Ltmp2, $4  }
0x38: {  	[tilespmem:s0+$0x13630] =	vst v0  }
0x39: {  	[tilespmem:s0+$0x13640] =	vst v0  }
0x3a: {  	[tilespmem:s0+$0x13650] =	vst v0  }
0x3b: {  	[tilespmem:s0+$0x13660] =	vst v0;
	s0 =	sshra.s32 s1, $0x2;
	s1 =	sadd.s32 $0x200, s1  }
0x3c: {  	[tilespmem:s0+$0x13670] =	vst v0  }
0x3d: {  	[tilespmem:s0+$0x13600] =	vst v0  }
0x3e: {  	[tilespmem:s0+$0x13610] =	vst v0  }
0x3f: {  	[tilespmem:s0+$0x13620] =	vst v0  }
0x40: {  	[tilespmem:s0+$0x13630] =	vst v0  }
0x41: {  	[tilespmem:s0+$0x13640] =	vst v0  }
0x42: {  	[tilespmem:s0+$0x13650] =	vst v0  }
0x43: {  	[tilespmem:s0+$0x13660] =	vst v0  }
.LBB2_7:
0x44: {  	[spmem:s11] =	stream.linear.scatter [tilespmem:s18], [sflag:$0x8], $0x2000, $0x38;
	[tilespmem:$0x16280] =	vst v63  }
0x45: {  	_ =	swait.ge [sflag:s19], $0x2000  }
0x46: {  	[sflag:s19] =	ssyncset.done $0x0  }
0x47: {  	[sflag:s19] =	ssyncadd.s32 $0xFFFFE000  }
0x48: {  	_ =	swait.ge [sflag:s20], $0x200  }
0x49: {  	[sflag:s20] =	ssyncset.done $0x0  }
0x4a: {  	[sflag:s20] =	ssyncadd.s32 $0xFFFFFE00  }
0x4b: {  	[bflag:$0x0] =	sbarrier.arrive $0xFFFF  }
0x4c: {  	_ =	swait.ge [sflag:s21], $0x4000  }
0x4d: {  	[sflag:s21] =	ssyncset.done $0x0  }
0x4e: {  	[sflag:s21] =	ssyncadd.s32 $0xFFFFC000  }
0x4f: {  	[spmem:s2] =	stream.indirect.scatter.add.f32 [tilespmem:s14], [sflag:$0x7], $0x80, s3, s22, $0xb8;
	[tilespmem:$0x16280] =	vst v63  }
0x50: {  	_ =	swait.ge [sflag:s23], $0x4000  }
0x51: {  	[sflag:s23] =	ssyncset.done $0x0  }
0x52: {  	[sflag:s23] =	ssyncadd.s32 $0xFFFFC000  }
0x53: {  	[spmem:s2] =	stream.indirect.scatter.add.f32 [tilespmem:s15], [sflag:$0x7], $0x80, s22, s22, $0xb8;
	[tilespmem:$0x16280] =	vst v63  }
0x54: {  	_ =	swait.ge [sflag:s24], $0x4000  }
0x55: {  	[sflag:s24] =	ssyncset.done $0x0  }
0x56: {  	[sflag:s24] =	ssyncadd.s32 $0xFFFFC000  }
0x57: {  	[spmem:s2] =	stream.indirect.scatter.add.f32 [tilespmem:s16], [sflag:$0x7], $0x80, s25, s22, $0xb8;
	[tilespmem:$0x16280] =	vst v63  }
0x58: {  	_ =	swait.ge [sflag:s26], $0x4000  }
0x59: {  	[sflag:s26] =	ssyncset.done $0x0  }
0x5a: {  	[sflag:s26] =	ssyncadd.s32 $0xFFFFC000  }
0x5b: {  	[spmem:s2] =	stream.indirect.scatter.add.f32 [tilespmem:s17], [sflag:$0x7], $0x80, s28, s22, $0xb8;
	[tilespmem:$0x16280] =	vst v63  }
0x5c: {  	_ =	swait.ge [sflag:s29], $0x4000  }
0x5d: {  	[sflag:s29] =	ssyncset.done $0x0  }
0x5e: {  	[sflag:s29] =	ssyncadd.s32 $0xFFFFC000  }
0x5f: {  	_ =	swait.ge [sflag:s29], $0x4000  }
0x60: {  	[sflag:s29] =	ssyncset.done $0x0  }
0x61: {  	[sflag:s29] =	ssyncadd.s32 $0xFFFFC000  }
0x62: {  	_ =	swait.ge [sflag:s29], $0x4000  }
0x63: {  	[sflag:s29] =	ssyncset.done $0x0  }
0x64: {  	[sflag:s29] =	ssyncadd.s32 $0xFFFFC000  }
0x65: {  	_ =	swait.ge [sflag:s29], $0x4000  }
0x66: {  	[sflag:s29] =	ssyncset.done $0x0  }
0x67: {  	[sflag:s29] =	ssyncadd.s32 $0xFFFFC000  }
0x68: {  	[bflag:$0x0] =	sbarrier.arrive $0xFFFF  }
0x69: {  	[tilespmem:s18], [sflag:$0x8] =	stream.linear.gather [spmem:s11], $0x2000, $0x38;
	[tilespmem:$0x16280] =	vst v63  }
0x6a: {  	_ =	swait.ge [sflag:s19], $0x2000  }
0x6b: {  	[sflag:s19] =	ssyncset.done $0x0  }
0x6c: {  	s0 =	simm.s32 @p0 $0x6;
	[sflag:s19] =	ssyncadd.s32 $0xFFFFE000  }
0x6d: {  	_ =	swait.ge @p0 [sflag:s0], $0x2000  }
0x6e: {  	[sflag:s0] =	ssyncset.done @p0 $0x0  }
0x6f: {  	[sflag:s0] =	ssyncadd.s32 @p0 $0xFFFFE000;
	s0 =	simm.s32 @!p0 $0x6  }
0x70: {  	_ =	swait.ge @!p0 [sflag:s0], $0x1400  }
0x71: {  	[sflag:s0] =	ssyncset.done @!p0 $0x0  }
0x72: {  	s1 =	simm.s32 $0x0;
	[sflag:s0] =	ssyncadd.s32 @!p0 $0xFFFFEC00  }
0x73: {  	v1 =	vld [tilespmem:s1+$0x10270]  }
0x74: {  	v2 =	vld [tilespmem:s1+$0x12270]  }
0x75: {  	v3 =	vld [tilespmem:s1+$0x10200]  }
0x76: {  	v4 =	vld [tilespmem:s1+$0x12200]  }
0x77: {  	v5 =	vld [tilespmem:s1+$0x10210]  }
0x78: {  	v6 =	vld [tilespmem:s1+$0x12210]  }
0x79: {  	v7 =	vld [tilespmem:s1+$0x10220]  }
0x7a: {  	v8 =	vld [tilespmem:s1+$0x12220]  }
0x7b: {  	v9 =	vld [tilespmem:s1+$0x10230]  }
0x7c: {  	v11 =	vld [tilespmem:s1+$0x12230]  }
0x7d: {  	v14 =	vld [tilespmem:s1+$0x10240]  }
0x7e: {  	v15 =	vld [tilespmem:s1+$0x12240];
	_ =	sdelay $0x1  }
0x7f: {  	v10 =	vld [tilespmem:s1+$0x10250];
	v1 =	vmul.f32 v2, v1;
	v3 =	vmul.f32 v4, v3  }
0x80: {  	v12 =	vld [tilespmem:s1+$0x12250];
	v2 =	vimm.f32 $0.0e+00;
	v4 =	vmul.f32 v6, v5;
	v5 =	vmul.f32 v8, v7  }
0x81: {  	v13 =	vld [tilespmem:s1+$0x12260];
	v9 =	vmul.f32 v11, v9;
	v1 =	vadd.f32 v1, v2;
	v7 =	vadd.f32 v3, v2  }
0x82: {  	s0 =	simm.s32 $0x80;
	v11 =	vld [tilespmem:s1+$0x10260];
	v14 =	vmul.f32 v15, v14;
	v8 =	vadd.f32 v4, v2;
	v6 =	vadd.f32 v5, v2  }
0x83: {  	s1 =	simm.s32 $0x400;
	v5 =	vadd.f32 v9, v2;
	v9 =	vld [tilespmem:s0+$0x10270];
	v4 =	vimm.f32 $0.0e+00;
	v3 =	vimm.f32 $0.0e+00  }
.LBB2_8:
0x84: {  	p1 =	sne.s32 s1, $0x7E00;
	v15 =	vld [tilespmem:s0+$0x12270]  }
0x85: {  	v16 =	vld [tilespmem:s0+$0x10200];
	v2 =	vadd.f32 v14, v2;
	v10 =	vmul.f32 v12, v10  }
0x86: {  	v12 =	vld [tilespmem:s0+$0x12200]  }
0x87: {  	v14 =	vld [tilespmem:s0+$0x10210];
	v4 =	vadd.f32 v10, v4;
	v10 =	vmul.f32 v13, v11  }
0x88: {  	v11 =	vld [tilespmem:s0+$0x12210]  }
0x89: {  	v13 =	vld [tilespmem:s0+$0x10220];
	v9 =	vmul.f32 v15, v9;
	v3 =	vadd.f32 v10, v3  }
0x8a: {  	v10 =	vld [tilespmem:s0+$0x12220]  }
0x8b: {  	v12 =	vmul.f32 v12, v16;
	v15 =	vld [tilespmem:s0+$0x10230];
	v1 =	vadd.f32 v9, v1  }
0x8c: {  	v9 =	vld [tilespmem:s0+$0x12230]  }
0x8d: {  	v7 =	vadd.f32 v12, v7;
	v11 =	vmul.f32 v11, v14;
	v14 =	vld [tilespmem:s0+$0x10240]  }
0x8e: {  	v16 =	vld [tilespmem:s0+$0x12240]  }
.Ltmp3:
0x8f: {  	v8 =	vadd.f32 v11, v8;
	v11 =	vmul.f32 v10, v13;
	v10 =	vld [tilespmem:s0+$0x10250];
	(pc) =	sbr.rel @p1 .LBB2_8-.Ltmp3, $4  }
0x90: {  	v12 =	vld [tilespmem:s0+$0x12250]  }
0x91: {  	v6 =	vadd.f32 v11, v6;
	v15 =	vmul.f32 v9, v15;
	v11 =	vld [tilespmem:s0+$0x10260]  }
0x92: {  	v13 =	vld [tilespmem:s0+$0x12260];
	s0 =	sshra.s32 s1, $0x2  }
0x93: {  	s1 =	sadd.s32 $0x200, s1;
	v9 =	vld [tilespmem:s0+$0x10270];
	v5 =	vadd.f32 v15, v5;
	v14 =	vmul.f32 v16, v14  }
0x94: {  	v15 =	vld [tilespmem:s0+$0x10200]  }
0x95: {  	v16 =	vld [tilespmem:s0+$0x12200]  }
0x96: {  	v17 =	vld [tilespmem:s0+$0x10210]  }
0x97: {  	v18 =	vld [tilespmem:s0+$0x12210]  }
0x98: {  	v19 =	vld [tilespmem:s0+$0x10220]  }
0x99: {  	v20 =	vld [tilespmem:s0+$0x12220]  }
0x9a: {  	v21 =	vld [tilespmem:s0+$0x10230]  }
0x9b: {  	v22 =	vld [tilespmem:s0+$0x12230]  }
0x9c: {  	v50 =	vld [tilespmem:s0+$0x10240];
	v15 =	vmul.f32 v16, v15;
	v49 =	vmul.f32 v18, v17  }
0x9d: {  	v51 =	vld [tilespmem:s0+$0x12240]  }
0x9e: {  	v53 =	vld [tilespmem:s0+$0x10250];
	v52 =	vmul.f32 v20, v19;
	v7 =	vadd.f32 v15, v7;
	v8 =	vadd.f32 v49, v8  }
0x9f: {  	v54 =	vld [tilespmem:s0+$0x12250]  }
0xa0: {  	v56 =	vld [tilespmem:s0+$0x10260];
	v55 =	vmul.f32 v22, v21;
	v6 =	vadd.f32 v52, v6;
	v7 =	vadd.f32 v8, v7  }
0xa1: {  	v57 =	vld [tilespmem:s0+$0x12260];
	v2 =	vadd.f32 v14, v2;
	v10 =	vmul.f32 v12, v10  }
0xa2: {  	v58 =	vmul.f32 v51, v50;
	v5 =	vadd.f32 v55, v5;
	v6 =	vadd.f32 v6, v7  }
0xa3: {  	v59 =	vld [tilespmem:s0+$0x12270];
	v4 =	vadd.f32 v10, v4;
	v60 =	vmul.f32 v13, v11  }
0xa4: {  	v61 =	vmul.f32 v54, v53;
	v2 =	vadd.f32 v58, v2;
	v5 =	vadd.f32 v5, v6  }
0xa5: {  	v3 =	vadd.f32 v60, v3  }
0xa6: {  	v62 =	vmul.f32 v57, v56;
	v4 =	vadd.f32 v61, v4;
	v2 =	vadd.f32 v2, v5;
	_ =	sdelay $0x1  }
0xa7: {  	v63 =	vmul.f32 v59, v9;
	v3 =	vadd.f32 v62, v3;
	v2 =	vadd.f32 v4, v2;
	_ =	sdelay $0x1  }
0xa8: {  	v1 =	vadd.f32 v63, v1;
	v2 =	vadd.f32 v3, v2;
	_ =	sdelay $0x1  }
0xa9: {  	s31 =	sadd.s32 $0x1, s31;
	v1 =	vadd.f32 v1, v2  }
0xaa: {  	p1 =	sne.s32 s31, s13  }
.Ltmp4:
0xab: {  	[tilespmem:$0x14200] =	vst v1;
	(pc) =	sbr.rel @p1 .LBB2_1-.Ltmp4, $4  }
0xac: {  	[hbm4b:s12+s3] =	stream.linear.scatter [tilespmem:s30], [sflag:$0x8], $0x80, $0x38;
	[tilespmem:$0x16280] =	vst v63  }
0xad: {  	_ =	swait.ge [sflag:s19], $0x80  }
0xae: {  	[sflag:s19] =	ssyncset.done $0x0  }
0xaf: {  	[sflag:s19] =	ssyncadd.s32 $0xFFFFFF80  }
0xb0: {  	_ =	sfence.sel $0x180000  }
0xb1: {  	[bflag:$0x0] =	sbarrier.arrive $0xFFFF  }
0xb2: {  	_ =	strace $0x90000047  }
0xb3: {  	s0 =	stileid.u32;
	[bflag:$0x2] =	sbarrier.arrive $0xFFFF  }
0xb4: {  	p0 =	sne.s32 s0, $0x0;
	s0 =	rddreg [dreg:$0x5]  }
0xb5: {  	s0 =	sadd.s32 @!p0 $0x100000, s0  }
0xb6: {  	[sflag:s0] =	ssyncadd.tile.s32 @!p0 $0x1;
	_ =	shalt  }
.Lfunc_end2:
_tile_overlayer_lowered:
.L_overlay_start_2:
0xb7: {  	(tag) =	ssettag $0x2  }
0xb8: {  	s0 =	rddreg [dreg:$0x0];
	s2 =	stileid.u32  }
0xb9: {  	s1 =	rddreg [dreg:$0x1];
	p0 =	sne.s32 s2, $0x0  }
0xba: {  	s3 =	rddreg [dreg:$0x2];
	[bflag:$0x3] =	sbarrier.arrive $0xFFFF;
	s2 =	simm.s32 @!p0 $0x1C08  }
0xbb: {  	[timem:s3], [sflag:s2] =	dma.local @!p0 [hbm:s0], s1  }
0xbc: {  	s0 =	simm.s32 @!p0 $0x8  }
0xbd: {  	_ =	swait.ge @!p0 [sflag:s0], s1  }
0xbe: {  	s1 =	ssub.s32 @!p0 $0x0, s1;
	[sflag:s0] =	ssyncset.done @!p0 $0x0  }
0xbf: {  	[sflag:s0] =	ssyncadd.s32 @!p0 s1  }
0xc0: {  	[bflag:$0x3] =	sbarrier.arrive $0xFFFF  }
0xc1: {  	_ =	shalt  }

</sc_bundles>
